<compile_context>
chip_gen: v7x
topology: tpu7x:2x2x1
jax: 0.10.2.dev20260603
libtpu: 0.0.44.dev20260713+nightly
codegen_flags: <defaults>
</compile_context>

<pallas_src>
import functools

import jax
import jax.numpy as jnp
from jax import lax
from jax.experimental import pallas as pl
from jax.experimental.pallas import tpu as pltpu
from jax.experimental.pallas import tpu_sc as plsc

N_NODES = 10000
N_EDGES = 320000
D_IN = 128
D_RADIAL = 16
D = 128

NC = 2
NS = 16
E_CORE = N_EDGES // NC
E_TILE = E_CORE // NS
CH = 80
NCHUNK = E_TILE // CH
N_TILE = 624
N_TAIL = N_NODES - N_TILE * NS


def _matmul_bias(x, W, b):
    M, K = x.shape
    _, N = W.shape
    b2 = b.reshape(1, N)

    def body(x_ref, w_ref, b_ref, o_ref):
        o_ref[...] = jnp.dot(x_ref[...], w_ref[...],
                             preferred_element_type=jnp.float32) + b_ref[...]

    return pl.pallas_call(
        body, out_shape=jax.ShapeDtypeStruct((M, N), jnp.float32),
    )(x, W, b2)


def _radial_call(eb8, W_big, b_big, block_m=2000):
    M8 = eb8.shape[0]
    b2 = b_big.reshape(1, 8 * D)

    def body(e_ref, w_ref, b_ref, o_ref):
        y = jnp.dot(e_ref[...], w_ref[...],
                    preferred_element_type=jnp.float32) + b_ref[...]
        o_ref[...] = y.reshape(block_m * 8, D)

    return pl.pallas_call(
        body,
        grid=(M8 // block_m,),
        in_specs=[pl.BlockSpec((block_m, D), lambda i: (i, 0)),
                  pl.BlockSpec((D, 8 * D), lambda i: (0, 0)),
                  pl.BlockSpec((1, 8 * D), lambda i: (0, 0))],
        out_specs=pl.BlockSpec((block_m * 8, D), lambda i: (i, 0)),
        out_shape=jax.ShapeDtypeStruct((N_EDGES, D), jnp.float32),
    )(eb8, W_big, b2)


def _unpack_call(edge_index):
    ei3 = edge_index.reshape(2, N_EDGES // 128, 128)

    def body(ei_ref, src_ref, dst_ref):
        src_ref[...] = ei_ref[0]
        dst_ref[...] = ei_ref[1]

    src2, dst2 = pl.pallas_call(
        body,
        out_shape=[jax.ShapeDtypeStruct((N_EDGES // 128, 128), jnp.int32),
                   jax.ShapeDtypeStruct((N_EDGES // 128, 128), jnp.int32)],
    )(ei3)
    return src2.reshape(N_EDGES), dst2.reshape(N_EDGES)


def _post_call(parts, W, b):
    b2 = b.reshape(1, D)

    def body(p_ref, w_ref, b_ref, o_ref):
        h = p_ref[0] + p_ref[1]
        y = jnp.dot(h, w_ref[...], preferred_element_type=jnp.float32) + b_ref[...]
        o_ref[...] = y * jax.nn.sigmoid(y)

    return pl.pallas_call(
        body, out_shape=jax.ShapeDtypeStruct((N_NODES, D), jnp.float32),
    )(parts, W, b2)


def _edge_call(hv, filt, src, dst):
    mesh = plsc.VectorSubcoreMesh(core_axis_name="c", subcore_axis_name="s")

    @functools.partial(
        pl.kernel,
        out_type=jax.ShapeDtypeStruct((NC, N_NODES, D), jnp.float32),
        mesh=mesh,
        scratch_types=[
            [pltpu.VMEM((CH,), jnp.int32)] * 2,
            [pltpu.VMEM((CH,), jnp.int32)] * 2,
            [pltpu.VMEM((CH,), jnp.int32)] * 2,
            [pltpu.VMEM((CH, D), jnp.float32)] * 2,
            [pltpu.VMEM((CH, D), jnp.float32)] * 2,
            pltpu.VMEM((16, D), jnp.float32),
            pltpu.VMEM_SHARED((N_NODES, D), jnp.float32),
            [pltpu.SemaphoreType.DMA] * 2,
            [pltpu.SemaphoreType.DMA] * 2,
            [pltpu.SemaphoreType.DMA] * 2,
        ],
    )
    def k(hv_hbm, filt_hbm, src_hbm, dst_hbm, out_hbm,
          idx_s, idx_d, scidx, filt_v, rows_v, zbuf, h_sh,
          semA, semG, semS):
        cid = lax.axis_index("c")
        sid = lax.axis_index("s")

        zero = jnp.zeros((16,), jnp.float32)

        def zrow(i, carry):
            for j in range(8):
                zbuf[i, pl.ds(j * 16, 16)] = zero
            return carry

        lax.fori_loop(0, 16, zrow, 0)
        rbase = sid * N_TILE

        def zcp(r, carry):
            pltpu.sync_copy(zbuf, h_sh.at[pl.ds(rbase + r * 16, 16)])
            return carry

        lax.fori_loop(0, N_TILE // 16, zcp, 0)

        @pl.when(sid == 0)
        def _zero_tail():
            pltpu.sync_copy(zbuf, h_sh.at[pl.ds(N_TILE * NS, N_TAIL)])

        plsc.subcore_barrier()

        ebase = cid * E_CORE + sid * E_TILE

        def start_loads(ci, b):
            off = ebase + ci * CH
            pltpu.async_copy(src_hbm.at[pl.ds(off, CH)], idx_s[b], semA[b])
            pltpu.async_copy(dst_hbm.at[pl.ds(off, CH)], idx_d[b], semA[b])
            pltpu.async_copy(filt_hbm.at[pl.ds(off, CH)], filt_v[b], semA[b])

        def wait_loads(b):
            pltpu.make_async_copy(src_hbm.at[pl.ds(0, CH)], idx_s[b], semA[b]).wait()
            pltpu.make_async_copy(dst_hbm.at[pl.ds(0, CH)], idx_d[b], semA[b]).wait()
            pltpu.make_async_copy(filt_hbm.at[pl.ds(0, CH)], filt_v[b], semA[b]).wait()

        def start_gather(b):
            pltpu.async_copy(hv_hbm.at[idx_s[b]], rows_v[b], semG[b])

        def wait_gather(b):
            pltpu.make_async_copy(hv_hbm.at[idx_s[b]], rows_v[b], semG[b]).wait()

        def mul_stage(b):
            def mrow(e, c2):
                for j in range(8):
                    s_ = pl.ds(j * 16, 16)
                    rows_v[b][e, s_] = rows_v[b][e, s_] * filt_v[b][e, s_]
                return c2

            lax.fori_loop(0, CH, mrow, 0)
            for j in range(CH // 16):
                s_ = pl.ds(j * 16, 16)
                scidx[b][s_] = idx_d[b][s_]

        def start_scatter(b):
            pltpu.async_copy(rows_v[b], h_sh.at[scidx[b]], semS[b], add=True)

        def wait_scatter(b):
            pltpu.make_async_copy(rows_v[b], h_sh.at[scidx[b]], semS[b]).wait()

        start_loads(0, 0)
        start_loads(1, 1)
        wait_loads(0)
        start_gather(0)
        wait_loads(1)
        start_gather(1)
        wait_gather(0)
        mul_stage(0)
        start_scatter(0)
        start_loads(2, 0)
        wait_gather(1)
        mul_stage(1)
        start_scatter(1)
        start_loads(3, 1)

        def body2(kk, carry):
            c0 = 2 * kk
            wait_loads(0)
            wait_scatter(0)
            start_gather(0)
            wait_loads(1)
            wait_scatter(1)
            start_gather(1)
            wait_gather(0)
            mul_stage(0)
            start_scatter(0)
            start_loads(c0 + 2, 0)
            wait_gather(1)
            mul_stage(1)
            start_scatter(1)

            @pl.when(c0 + 3 < NCHUNK)
            def _():
                start_loads(c0 + 3, 1)

            return carry

        lax.fori_loop(1, (NCHUNK - 1) // 2, body2, 0)

        wait_loads(0)
        wait_scatter(0)
        start_gather(0)
        wait_gather(0)
        mul_stage(0)
        start_scatter(0)
        wait_scatter(0)
        wait_scatter(1)
        plsc.subcore_barrier()

        rows = pl.ds(rbase, N_TILE)
        pltpu.sync_copy(h_sh.at[rows], out_hbm.at[cid, rows])

        @pl.when(sid == 0)
        def _write_tail():
            tail = pl.ds(N_TILE * NS, N_TAIL)
            pltpu.sync_copy(h_sh.at[tail], out_hbm.at[cid, tail])

    return k(hv, filt, src, dst)


def kernel(x, edge_index, edge_basis, W_pre, b_pre, W_rad, b_rad, W_post, b_post):
    hv = _matmul_bias(x, W_pre, b_pre)
    eb8 = edge_basis.reshape(N_EDGES // 8, 8 * D_RADIAL)
    W_big = jnp.zeros((8, D_RADIAL, 8, D), jnp.float32)
    W_big = W_big.at[jnp.arange(8), :, jnp.arange(8), :].set(W_rad)
    W_big = W_big.reshape(8 * D_RADIAL, 8 * D)
    b_big = jnp.tile(b_rad, 8)
    filt = _radial_call(eb8, W_big, b_big)
    src, dst = _unpack_call(edge_index)
    parts = _edge_call(hv, filt, src, dst)
    return _post_call(parts, W_post, b_post)

# --- scband reference (transcript-rebuilt; emitter-appended) ---
"""Pipeline reference for scband-cfconv-fused-5042291605796 (READ-ONLY COPY).

The authoritative reference and input builder live on the scoring server;
editing this copy changes nothing except your own understanding.
"""

import jax, jax.numpy as jnp
import numpy as np

N_NODES = 10000
N_EDGES = 320000
D_IN = 128
D_RADIAL = 16
D_HIDDEN = 128
D_OUT = 128


def setup_inputs(seed: int = 0) -> dict:
    key = jax.random.key(seed)
    ks = jax.random.split(key, 10)
    x = jax.random.normal(ks[0], (N_NODES, D_IN), dtype=jnp.float32)
    edge_index = jax.random.randint(ks[1], (2, N_EDGES), 0, N_NODES, dtype=jnp.int64 if jax.config.jax_enable_x64 else jnp.int32).astype(jnp.int32)
    edge_basis = jax.random.normal(ks[2], (N_EDGES, D_RADIAL), dtype=jnp.float32)
    # Learned parameters (torch.nn.Linear: y = x @ W.T + b; store as [in, out] for jnp)
    s_pre = 1.0 / np.sqrt(D_IN)
    W_pre = jax.random.uniform(ks[3], (D_IN, D_HIDDEN), jnp.float32, -s_pre, s_pre)
    b_pre = jax.random.uniform(ks[4], (D_HIDDEN,), jnp.float32, -s_pre, s_pre)
    s_rad = 1.0 / np.sqrt(D_RADIAL)
    W_rad = jax.random.uniform(ks[5], (D_RADIAL, D_HIDDEN), jnp.float32, -s_rad, s_rad)
    b_rad = jax.random.uniform(ks[6], (D_HIDDEN,), jnp.float32, -s_rad, s_rad)
    s_post = 1.0 / np.sqrt(D_HIDDEN)
    W_post = jax.random.uniform(ks[7], (D_HIDDEN, D_OUT), jnp.float32, -s_post, s_post)
    b_post = jax.random.uniform(ks[8], (D_OUT,), jnp.float32, -s_post, s_post)
    return {"x": x, "edge_index": edge_index, "edge_basis": edge_basis,
            "W_pre": W_pre, "b_pre": b_pre, "W_rad": W_rad, "b_rad": b_rad,
            "W_post": W_post, "b_post": b_post}


def reference(x, edge_index, edge_basis, W_pre, b_pre, W_rad, b_rad, W_post, b_post):
    src = edge_index[0]
    dst = edge_index[1]
    # pre: Linear(d_in -> d_hidden) on node features
    hv = x @ W_pre + b_pre
    # radial_filters: Linear(d_radial -> d_hidden) on edge basis
    filt = edge_basis @ W_rad + b_rad
    # message: u_mul_e -> hv[src] * filter, reduce sum onto dst
    m = jnp.take(hv, src, axis=0) * filt
    h = jax.ops.segment_sum(m, dst, num_segments=N_NODES)
    # post: Linear(d_hidden -> d_out) + SiLU
    y = h @ W_post + b_post
    return y * jax.nn.sigmoid(y)

if __name__ == "__main__":
    import jax
    _d = setup_inputs()
    print(jax.jit(kernel)(*tuple(_d.values())))

</pallas_src>

<mosaic_0001>
#map = affine_map<(d0, d1) -> (0, 0)>
#map1 = affine_map<(d0, d1) -> (0)>
#map2 = affine_map<(d0, d1) -> (0, 0, 0)>
module attributes {stable_mosaic.version = 14 : i64} {
  func.func @k(%arg0: i32, %arg1: i32, %arg2: memref<10000x128xf32, #tpu.memory_space<hbm>>, %arg3: memref<320000x128xf32, #tpu.memory_space<hbm>>, %arg4: memref<320000xi32, #tpu.memory_space<hbm>>, %arg5: memref<320000xi32, #tpu.memory_space<hbm>>, %arg6: memref<2x10000x128xf32, #tpu.memory_space<hbm>>, %arg7: memref<80xi32, #tpu.memory_space<vmem>>, %arg8: memref<80xi32, #tpu.memory_space<vmem>>, %arg9: memref<80xi32, #tpu.memory_space<vmem>>, %arg10: memref<80xi32, #tpu.memory_space<vmem>>, %arg11: memref<80xi32, #tpu.memory_space<vmem>>, %arg12: memref<80xi32, #tpu.memory_space<vmem>>, %arg13: memref<80x128xf32, #tpu.memory_space<vmem>>, %arg14: memref<80x128xf32, #tpu.memory_space<vmem>>, %arg15: memref<80x128xf32, #tpu.memory_space<vmem>>, %arg16: memref<80x128xf32, #tpu.memory_space<vmem>>, %arg17: memref<16x128xf32, #tpu.memory_space<vmem>>, %arg18: memref<10000x128xf32, #tpu.memory_space<vmem_shared>>, %arg19: memref<!tpu.dma_semaphore, #tpu.memory_space<semaphore_mem>>, %arg20: memref<!tpu.dma_semaphore, #tpu.memory_space<semaphore_mem>>, %arg21: memref<!tpu.dma_semaphore, #tpu.memory_space<semaphore_mem>>, %arg22: memref<!tpu.dma_semaphore, #tpu.memory_space<semaphore_mem>>, %arg23: memref<!tpu.dma_semaphore, #tpu.memory_space<semaphore_mem>>, %arg24: memref<!tpu.dma_semaphore, #tpu.memory_space<semaphore_mem>>) attributes {dimension_semantics = [#tpu.dimension_semantics<core_parallel>, #tpu.dimension_semantics<subcore_parallel>], iteration_bounds = array<i64: 2, 16>, scalar_prefetch = 0 : i64, scratch_operands = 18 : i64, tpu.core_type = #tpu.core_type<sc_vector_subcore>, window_params = [{transform_indices = #map}, {transform_indices = #map}, {transform_indices = #map1}, {transform_indices = #map1}, {transform_indices = #map2}]} {
    %broadcast_in_dim3A = arith.constant 0.000000e+00 : f32
    %broadcast_in_dim3A_0 = vector.broadcast %broadcast_in_dim3A : f32 to vector<16xf32>
    %scan3A = arith.constant 0 : i32
    %scan3A_1 = arith.constant 0 : i32
    %scan3A_2 = arith.constant 16 : i32
    %scan3A_3 = arith.addi %scan3A_1, %scan3A_2 : i32
    %scan3A_4 = arith.constant 1 : i32
    scf.for %scan3A_268 = %scan3A_1 to %scan3A_3 step %scan3A_4  : i32 {
      %swap3A_269 = arith.index_cast %scan3A_268 : i32 to index
      %swap3A_270 = arith.constant 0 : index
      %swap3A_271 = tpu.vector_load %arg17[%swap3A_269, %swap3A_270] {strides = array<i32>} : memref<16x128xf32, #tpu.memory_space<vmem>>, vector<1x16xf32>,
      %swap3A_272 = vector.shape_cast %swap3A_271 : vector<1x16xf32> to vector<16xf32>
      %swap3A_273 = vector.shape_cast %broadcast_in_dim3A_0 : vector<16xf32> to vector<1x16xf32>
      tpu.vector_store %arg17[%swap3A_269, %swap3A_270], %swap3A_273 {strides = array<i32>} : memref<16x128xf32, #tpu.memory_space<vmem>>, vector<1x16xf32>,
      %swap3A_274 = arith.index_cast %scan3A_268 : i32 to index
      %swap3A_275 = arith.constant 16 : index
      %swap3A_276 = tpu.vector_load %arg17[%swap3A_274, %swap3A_275] {strides = array<i32>} : memref<16x128xf32, #tpu.memory_space<vmem>>, vector<1x16xf32>,
      %swap3A_277 = vector.shape_cast %swap3A_276 : vector<1x16xf32> to vector<16xf32>
      %swap3A_278 = vector.shape_cast %broadcast_in_dim3A_0 : vector<16xf32> to vector<1x16xf32>
      tpu.vector_store %arg17[%swap3A_274, %swap3A_275], %swap3A_278 {strides = array<i32>} : memref<16x128xf32, #tpu.memory_space<vmem>>, vector<1x16xf32>,
      %swap3A_279 = arith.index_cast %scan3A_268 : i32 to index
      %swap3A_280 = arith.constant 32 : index
      %swap3A_281 = tpu.vector_load %arg17[%swap3A_279, %swap3A_280] {strides = array<i32>} : memref<16x128xf32, #tpu.memory_space<vmem>>, vector<1x16xf32>,
      %swap3A_282 = vector.shape_cast %swap3A_281 : vector<1x16xf32> to vector<16xf32>
      %swap3A_283 = vector.shape_cast %broadcast_in_dim3A_0 : vector<16xf32> to vector<1x16xf32>
      tpu.vector_store %arg17[%swap3A_279, %swap3A_280], %swap3A_283 {strides = array<i32>} : memref<16x128xf32, #tpu.memory_space<vmem>>, vector<1x16xf32>,
      %swap3A_284 = arith.index_cast %scan3A_268 : i32 to index
      %swap3A_285 = arith.constant 48 : index
      %swap3A_286 = tpu.vector_load %arg17[%swap3A_284, %swap3A_285] {strides = array<i32>} : memref<16x128xf32, #tpu.memory_space<vmem>>, vector<1x16xf32>,
      %swap3A_287 = vector.shape_cast %swap3A_286 : vector<1x16xf32> to vector<16xf32>
      %swap3A_288 = vector.shape_cast %broadcast_in_dim3A_0 : vector<16xf32> to vector<1x16xf32>
      tpu.vector_store %arg17[%swap3A_284, %swap3A_285], %swap3A_288 {strides = array<i32>} : memref<16x128xf32, #tpu.memory_space<vmem>>, vector<1x16xf32>,
      %swap3A_289 = arith.index_cast %scan3A_268 : i32 to index
      %swap3A_290 = arith.constant 64 : index
      %swap3A_291 = tpu.vector_load %arg17[%swap3A_289, %swap3A_290] {strides = array<i32>} : memref<16x128xf32, #tpu.memory_space<vmem>>, vector<1x16xf32>,
      %swap3A_292 = vector.shape_cast %swap3A_291 : vector<1x16xf32> to vector<16xf32>
      %swap3A_293 = vector.shape_cast %broadcast_in_dim3A_0 : vector<16xf32> to vector<1x16xf32>
      tpu.vector_store %arg17[%swap3A_289, %swap3A_290], %swap3A_293 {strides = array<i32>} : memref<16x128xf32, #tpu.memory_space<vmem>>, vector<1x16xf32>,
      %swap3A_294 = arith.index_cast %scan3A_268 : i32 to index
      %swap3A_295 = arith.constant 80 : index
      %swap3A_296 = tpu.vector_load %arg17[%swap3A_294, %swap3A_295] {strides = array<i32>} : memref<16x128xf32, #tpu.memory_space<vmem>>, vector<1x16xf32>,
      %swap3A_297 = vector.shape_cast %swap3A_296 : vector<1x16xf32> to vector<16xf32>
      %swap3A_298 = vector.shape_cast %broadcast_in_dim3A_0 : vector<16xf32> to vector<1x16xf32>
      tpu.vector_store %arg17[%swap3A_294, %swap3A_295], %swap3A_298 {strides = array<i32>} : memref<16x128xf32, #tpu.memory_space<vmem>>, vector<1x16xf32>,
      %swap3A_299 = arith.index_cast %scan3A_268 : i32 to index
      %swap3A_300 = arith.constant 96 : index
      %swap3A_301 = tpu.vector_load %arg17[%swap3A_299, %swap3A_300] {strides = array<i32>} : memref<16x128xf32, #tpu.memory_space<vmem>>, vector<1x16xf32>,
      %swap3A_302 = vector.shape_cast %swap3A_301 : vector<1x16xf32> to vector<16xf32>
      %swap3A_303 = vector.shape_cast %broadcast_in_dim3A_0 : vector<16xf32> to vector<1x16xf32>
      tpu.vector_store %arg17[%swap3A_299, %swap3A_300], %swap3A_303 {strides = array<i32>} : memref<16x128xf32, #tpu.memory_space<vmem>>, vector<1x16xf32>,
      %swap3A_304 = arith.index_cast %scan3A_268 : i32 to index
      %swap3A_305 = arith.constant 112 : index
      %swap3A_306 = tpu.vector_load %arg17[%swap3A_304, %swap3A_305] {strides = array<i32>} : memref<16x128xf32, #tpu.memory_space<vmem>>, vector<1x16xf32>,
      %swap3A_307 = vector.shape_cast %swap3A_306 : vector<1x16xf32> to vector<16xf32>
      %swap3A_308 = vector.shape_cast %broadcast_in_dim3A_0 : vector<16xf32> to vector<1x16xf32>
      tpu.vector_store %arg17[%swap3A_304, %swap3A_305], %swap3A_308 {strides = array<i32>} : memref<16x128xf32, #tpu.memory_space<vmem>>, vector<1x16xf32>,
    }
    %scan3A_5 = arith.constant 16 : i32
    %mul3A = arith.constant 624 : i32
    %mul3A_6 = arith.muli %arg1, %mul3A : i32
    %scan3A_7 = arith.constant 0 : i32
    %scan3A_8 = arith.constant 0 : i32
    %scan3A_9 = arith.constant 39 : i32
    %scan3A_10 = arith.addi %scan3A_8, %scan3A_9 : i32
    %scan3A_11 = arith.constant 1 : i32
    scf.for %scan3A_268 = %scan3A_8 to %scan3A_10 step %scan3A_11  : i32 {
      %mul3A_269 = arith.constant 16 : i32
      %mul3A_270 = arith.muli %scan3A_268, %mul3A_269 : i32
      %add3A_271 = arith.addi %mul3A_6, %mul3A_270 : i32
      "tpu.region"() ({
        %run_scoped3A = tpu.sem_alloc : memref<!tpu.dma_semaphore, #tpu.memory_space<semaphore_mem>>
        %dma_start3A_272 = arith.constant 0 : i32
        %dma_start3A_273 = tpu.memref_slice %arg18[%add3A_271, %dma_start3A_272] : memref<10000x128xf32, #tpu.memory_space<vmem_shared>> -> memref<16x128xf32, #tpu.memory_space<vmem_shared>>
        %dma_start3A_274 = arith.constant 0 : i32
        %dma_start3A_275 = tpu.memref_slice %arg18[%add3A_271, %dma_start3A_274] : memref<10000x128xf32, #tpu.memory_space<vmem_shared>> -> memref<16x128xf32, #tpu.memory_space<vmem_shared>>
        tpu.enqueue_dma source(%arg17 : memref<16x128xf32, #tpu.memory_space<vmem>>) target(%dma_start3A_275 : memref<16x128xf32, #tpu.memory_space<vmem_shared>>) target_semaphore(%run_scoped3A : memref<!tpu.dma_semaphore, #tpu.memory_space<semaphore_mem>>)
        %dma_wait3A_276 = arith.constant 0 : i32
        %dma_wait3A_277 = tpu.memref_slice %arg18[%add3A_271, %dma_wait3A_276] : memref<10000x128xf32, #tpu.memory_space<vmem_shared>> -> memref<16x128xf32, #tpu.memory_space<vmem_shared>>
        %dma_wait3A_278 = arith.constant 0 : i32
        %dma_wait3A_279 = tpu.memref_slice %arg18[%add3A_271, %dma_wait3A_278] : memref<10000x128xf32, #tpu.memory_space<vmem_shared>> -> memref<16x128xf32, #tpu.memory_space<vmem_shared>>
        tpu.wait_dma2 semaphore(%run_scoped3A : memref<!tpu.dma_semaphore, #tpu.memory_space<semaphore_mem>>) src(%arg17 : memref<16x128xf32, #tpu.memory_space<vmem>>) dst(%dma_wait3A_279 : memref<16x128xf32, #tpu.memory_space<vmem_shared>>)
        tpu.yield
      }) : () -> ()
    }
    %scan3A_12 = arith.constant 39 : i32
    %eq3A = arith.constant 0 : i32
    %eq3A_13 = arith.cmpi eq, %arg1, %eq3A : i32
    %convert_element_type3A = arith.extui %eq3A_13 : i1 to i32
    %cond3A = arith.constant 0 : i32
    %cond3A_14 = arith.cmpi ne, %convert_element_type3A, %cond3A : i32
    scf.if %cond3A_14 {
      "tpu.region"() ({
        %run_scoped3A = tpu.sem_alloc : memref<!tpu.dma_semaphore, #tpu.memory_space<semaphore_mem>>
        %dma_start3A_268 = arith.constant 9984 : i32
        %dma_start3A_269 = arith.constant 0 : i32
        %dma_start3A_270 = tpu.memref_slice %arg18[%dma_start3A_268, %dma_start3A_269] : memref<10000x128xf32, #tpu.memory_space<vmem_shared>> -> memref<16x128xf32, #tpu.memory_space<vmem_shared>>
        %dma_start3A_271 = arith.constant 9984 : i32
        %dma_start3A_272 = arith.constant 0 : i32
        %dma_start3A_273 = tpu.memref_slice %arg18[%dma_start3A_271, %dma_start3A_272] : memref<10000x128xf32, #tpu.memory_space<vmem_shared>> -> memref<16x128xf32, #tpu.memory_space<vmem_shared>>
        tpu.enqueue_dma source(%arg17 : memref<16x128xf32, #tpu.memory_space<vmem>>) target(%dma_start3A_273 : memref<16x128xf32, #tpu.memory_space<vmem_shared>>) target_semaphore(%run_scoped3A : memref<!tpu.dma_semaphore, #tpu.memory_space<semaphore_mem>>)
        %dma_wait3A_274 = arith.constant 9984 : i32
        %dma_wait3A_275 = arith.constant 0 : i32
        %dma_wait3A_276 = tpu.memref_slice %arg18[%dma_wait3A_274, %dma_wait3A_275] : memref<10000x128xf32, #tpu.memory_space<vmem_shared>> -> memref<16x128xf32, #tpu.memory_space<vmem_shared>>
        %dma_wait3A_277 = arith.constant 9984 : i32
        %dma_wait3A_278 = arith.constant 0 : i32
        %dma_wait3A_279 = tpu.memref_slice %arg18[%dma_wait3A_277, %dma_wait3A_278] : memref<10000x128xf32, #tpu.memory_space<vmem_shared>> -> memref<16x128xf32, #tpu.memory_space<vmem_shared>>
        tpu.wait_dma2 semaphore(%run_scoped3A : memref<!tpu.dma_semaphore, #tpu.memory_space<semaphore_mem>>) src(%arg17 : memref<16x128xf32, #tpu.memory_space<vmem>>) dst(%dma_wait3A_279 : memref<16x128xf32, #tpu.memory_space<vmem_shared>>)
        tpu.yield
      }) : () -> ()
    } else {
    }
    %barrier3A = arith.constant 0 : index
    tpu.barrier barrier_id(%barrier3A)
    %mul3A_15 = arith.constant 160000 : i32
    %mul3A_16 = arith.muli %arg0, %mul3A_15 : i32
    %mul3A_17 = arith.constant 10000 : i32
    %mul3A_18 = arith.muli %arg1, %mul3A_17 : i32
    %add3A = arith.addi %mul3A_16, %mul3A_18 : i32
    %add3A_19 = arith.constant 0 : i32
    %add3A_20 = arith.addi %add3A, %add3A_19 : i32
    %dma_start3A = tpu.memref_slice %arg4[%add3A_20] : memref<320000xi32, #tpu.memory_space<hbm>> -> memref<80xi32, #tpu.memory_space<hbm>>
    %dma_start3A_21 = tpu.memref_slice %arg4[%add3A_20] : memref<320000xi32, #tpu.memory_space<hbm>> -> memref<80xi32, #tpu.memory_space<hbm>>
    tpu.enqueue_dma source(%dma_start3A_21 : memref<80xi32, #tpu.memory_space<hbm>>) target(%arg7 : memref<80xi32, #tpu.memory_space<vmem>>) target_semaphore(%arg19 : memref<!tpu.dma_semaphore, #tpu.memory_space<semaphore_mem>>)
    %dma_start3A_22 = tpu.memref_slice %arg5[%add3A_20] : memref<320000xi32, #tpu.memory_space<hbm>> -> memref<80xi32, #tpu.memory_space<hbm>>
    %dma_start3A_23 = tpu.memref_slice %arg5[%add3A_20] : memref<320000xi32, #tpu.memory_space<hbm>> -> memref<80xi32, #tpu.memory_space<hbm>>
    tpu.enqueue_dma source(%dma_start3A_23 : memref<80xi32, #tpu.memory_space<hbm>>) target(%arg9 : memref<80xi32, #tpu.memory_space<vmem>>) target_semaphore(%arg19 : memref<!tpu.dma_semaphore, #tpu.memory_space<semaphore_mem>>)
    %dma_start3A_24 = arith.constant 0 : i32
    %dma_start3A_25 = tpu.memref_slice %arg3[%add3A_20, %dma_start3A_24] : memref<320000x128xf32, #tpu.memory_space<hbm>> -> memref<80x128xf32, #tpu.memory_space<hbm>>
    %dma_start3A_26 = arith.constant 0 : i32
    %dma_start3A_27 = tpu.memref_slice %arg3[%add3A_20, %dma_start3A_26] : memref<320000x128xf32, #tpu.memory_space<hbm>> -> memref<80x128xf32, #tpu.memory_space<hbm>>
    tpu.enqueue_dma source(%dma_start3A_27 : memref<80x128xf32, #tpu.memory_space<hbm>>) target(%arg13 : memref<80x128xf32, #tpu.memory_space<vmem>>) target_semaphore(%arg19 : memref<!tpu.dma_semaphore, #tpu.memory_space<semaphore_mem>>)
    %add3A_28 = arith.constant 80 : i32
    %add3A_29 = arith.addi %add3A, %add3A_28 : i32
    %dma_start3A_30 = tpu.memref_slice %arg4[%add3A_29] : memref<320000xi32, #tpu.memory_space<hbm>> -> memref<80xi32, #tpu.memory_space<hbm>>
    %dma_start3A_31 = tpu.memref_slice %arg4[%add3A_29] : memref<320000xi32, #tpu.memory_space<hbm>> -> memref<80xi32, #tpu.memory_space<hbm>>
    tpu.enqueue_dma source(%dma_start3A_31 : memref<80xi32, #tpu.memory_space<hbm>>) target(%arg8 : memref<80xi32, #tpu.memory_space<vmem>>) target_semaphore(%arg20 : memref<!tpu.dma_semaphore, #tpu.memory_space<semaphore_mem>>)
    %dma_start3A_32 = tpu.memref_slice %arg5[%add3A_29] : memref<320000xi32, #tpu.memory_space<hbm>> -> memref<80xi32, #tpu.memory_space<hbm>>
    %dma_start3A_33 = tpu.memref_slice %arg5[%add3A_29] : memref<320000xi32, #tpu.memory_space<hbm>> -> memref<80xi32, #tpu.memory_space<hbm>>
    tpu.enqueue_dma source(%dma_start3A_33 : memref<80xi32, #tpu.memory_space<hbm>>) target(%arg10 : memref<80xi32, #tpu.memory_space<vmem>>) target_semaphore(%arg20 : memref<!tpu.dma_semaphore, #tpu.memory_space<semaphore_mem>>)
    %dma_start3A_34 = arith.constant 0 : i32
    %dma_start3A_35 = tpu.memref_slice %arg3[%add3A_29, %dma_start3A_34] : memref<320000x128xf32, #tpu.memory_space<hbm>> -> memref<80x128xf32, #tpu.memory_space<hbm>>
    %dma_start3A_36 = arith.constant 0 : i32
    %dma_start3A_37 = tpu.memref_slice %arg3[%add3A_29, %dma_start3A_36] : memref<320000x128xf32, #tpu.memory_space<hbm>> -> memref<80x128xf32, #tpu.memory_space<hbm>>
    tpu.enqueue_dma source(%dma_start3A_37 : memref<80x128xf32, #tpu.memory_space<hbm>>) target(%arg14 : memref<80x128xf32, #tpu.memory_space<vmem>>) target_semaphore(%arg20 : memref<!tpu.dma_semaphore, #tpu.memory_space<semaphore_mem>>)
    %dma_wait3A = arith.constant 0 : i32
    %dma_wait3A_38 = tpu.memref_slice %arg4[%dma_wait3A] : memref<320000xi32, #tpu.memory_space<hbm>> -> memref<80xi32, #tpu.memory_space<hbm>>
    %dma_wait3A_39 = arith.constant 0 : i32
    %dma_wait3A_40 = tpu.memref_slice %arg4[%dma_wait3A_39] : memref<320000xi32, #tpu.memory_space<hbm>> -> memref<80xi32, #tpu.memory_space<hbm>>
    tpu.wait_dma2 semaphore(%arg19 : memref<!tpu.dma_semaphore, #tpu.memory_space<semaphore_mem>>) src(%dma_wait3A_40 : memref<80xi32, #tpu.memory_space<hbm>>) dst(%arg7 : memref<80xi32, #tpu.memory_space<vmem>>)
    %dma_wait3A_41 = arith.constant 0 : i32
    %dma_wait3A_42 = tpu.memref_slice %arg5[%dma_wait3A_41] : memref<320000xi32, #tpu.memory_space<hbm>> -> memref<80xi32, #tpu.memory_space<hbm>>
    %dma_wait3A_43 = arith.constant 0 : i32
    %dma_wait3A_44 = tpu.memref_slice %arg5[%dma_wait3A_43] : memref<320000xi32, #tpu.memory_space<hbm>> -> memref<80xi32, #tpu.memory_space<hbm>>
    tpu.wait_dma2 semaphore(%arg19 : memref<!tpu.dma_semaphore, #tpu.memory_space<semaphore_mem>>) src(%dma_wait3A_44 : memref<80xi32, #tpu.memory_space<hbm>>) dst(%arg9 : memref<80xi32, #tpu.memory_space<vmem>>)
    %dma_wait3A_45 = arith.constant 0 : i32
    %dma_wait3A_46 = arith.constant 0 : i32
    %dma_wait3A_47 = tpu.memref_slice %arg3[%dma_wait3A_45, %dma_wait3A_46] : memref<320000x128xf32, #tpu.memory_space<hbm>> -> memref<80x128xf32, #tpu.memory_space<hbm>>
    %dma_wait3A_48 = arith.constant 0 : i32
    %dma_wait3A_49 = arith.constant 0 : i32
    %dma_wait3A_50 = tpu.memref_slice %arg3[%dma_wait3A_48, %dma_wait3A_49] : memref<320000x128xf32, #tpu.memory_space<hbm>> -> memref<80x128xf32, #tpu.memory_space<hbm>>
    tpu.wait_dma2 semaphore(%arg19 : memref<!tpu.dma_semaphore, #tpu.memory_space<semaphore_mem>>) src(%dma_wait3A_50 : memref<80x128xf32, #tpu.memory_space<hbm>>) dst(%arg13 : memref<80x128xf32, #tpu.memory_space<vmem>>)
    %dma_start3A_51 = arith.constant 0 : i32
    %dma_start3A_52 = arith.constant 0 : i32
    %dma_start3A_53 = tpu.memref_slice %arg2[%dma_start3A_51, %dma_start3A_52] : memref<10000x128xf32, #tpu.memory_space<hbm>> -> memref<10000x128xf32, #tpu.memory_space<hbm>>
    tpu.enqueue_indirect_dma source(%dma_start3A_53 : memref<10000x128xf32, #tpu.memory_space<hbm>>) target(%arg15 : memref<80x128xf32, #tpu.memory_space<vmem>>) offsets(%arg7 : memref<80xi32, #tpu.memory_space<vmem>>) semaphore(%arg21 : memref<!tpu.dma_semaphore, #tpu.memory_space<semaphore_mem>>)
    %dma_wait3A_54 = arith.constant 0 : i32
    %dma_wait3A_55 = tpu.memref_slice %arg4[%dma_wait3A_54] : memref<320000xi32, #tpu.memory_space<hbm>> -> memref<80xi32, #tpu.memory_space<hbm>>
    %dma_wait3A_56 = arith.constant 0 : i32
    %dma_wait3A_57 = tpu.memref_slice %arg4[%dma_wait3A_56] : memref<320000xi32, #tpu.memory_space<hbm>> -> memref<80xi32, #tpu.memory_space<hbm>>
    tpu.wait_dma2 semaphore(%arg20 : memref<!tpu.dma_semaphore, #tpu.memory_space<semaphore_mem>>) src(%dma_wait3A_57 : memref<80xi32, #tpu.memory_space<hbm>>) dst(%arg8 : memref<80xi32, #tpu.memory_space<vmem>>)
    %dma_wait3A_58 = arith.constant 0 : i32
    %dma_wait3A_59 = tpu.memref_slice %arg5[%dma_wait3A_58] : memref<320000xi32, #tpu.memory_space<hbm>> -> memref<80xi32, #tpu.memory_space<hbm>>
    %dma_wait3A_60 = arith.constant 0 : i32
    %dma_wait3A_61 = tpu.memref_slice %arg5[%dma_wait3A_60] : memref<320000xi32, #tpu.memory_space<hbm>> -> memref<80xi32, #tpu.memory_space<hbm>>
    tpu.wait_dma2 semaphore(%arg20 : memref<!tpu.dma_semaphore, #tpu.memory_space<semaphore_mem>>) src(%dma_wait3A_61 : memref<80xi32, #tpu.memory_space<hbm>>) dst(%arg10 : memref<80xi32, #tpu.memory_space<vmem>>)
    %dma_wait3A_62 = arith.constant 0 : i32
    %dma_wait3A_63 = arith.constant 0 : i32
    %dma_wait3A_64 = tpu.memref_slice %arg3[%dma_wait3A_62, %dma_wait3A_63] : memref<320000x128xf32, #tpu.memory_space<hbm>> -> memref<80x128xf32, #tpu.memory_space<hbm>>
    %dma_wait3A_65 = arith.constant 0 : i32
    %dma_wait3A_66 = arith.constant 0 : i32
    %dma_wait3A_67 = tpu.memref_slice %arg3[%dma_wait3A_65, %dma_wait3A_66] : memref<320000x128xf32, #tpu.memory_space<hbm>> -> memref<80x128xf32, #tpu.memory_space<hbm>>
    tpu.wait_dma2 semaphore(%arg20 : memref<!tpu.dma_semaphore, #tpu.memory_space<semaphore_mem>>) src(%dma_wait3A_67 : memref<80x128xf32, #tpu.memory_space<hbm>>) dst(%arg14 : memref<80x128xf32, #tpu.memory_space<vmem>>)
    %dma_start3A_68 = arith.constant 0 : i32
    %dma_start3A_69 = arith.constant 0 : i32
    %dma_start3A_70 = tpu.memref_slice %arg2[%dma_start3A_68, %dma_start3A_69] : memref<10000x128xf32, #tpu.memory_space<hbm>> -> memref<10000x128xf32, #tpu.memory_space<hbm>>
    tpu.enqueue_indirect_dma source(%dma_start3A_70 : memref<10000x128xf32, #tpu.memory_space<hbm>>) target(%arg16 : memref<80x128xf32, #tpu.memory_space<vmem>>) offsets(%arg8 : memref<80xi32, #tpu.memory_space<vmem>>) semaphore(%arg22 : memref<!tpu.dma_semaphore, #tpu.memory_space<semaphore_mem>>)
    %dma_wait3A_71 = arith.constant 0 : i32
    %dma_wait3A_72 = arith.constant 0 : i32
    %dma_wait3A_73 = tpu.memref_slice %arg2[%dma_wait3A_71, %dma_wait3A_72] : memref<10000x128xf32, #tpu.memory_space<hbm>> -> memref<10000x128xf32, #tpu.memory_space<hbm>>
    tpu.wait_indirect_dma semaphore(%arg21 : memref<!tpu.dma_semaphore, #tpu.memory_space<semaphore_mem>>) src(%dma_wait3A_73 : memref<10000x128xf32, #tpu.memory_space<hbm>>) dst(%arg15 : memref<80x128xf32, #tpu.memory_space<vmem>>)
    %scan3A_74 = arith.constant 0 : i32
    %scan3A_75 = arith.constant 0 : i32
    %scan3A_76 = arith.constant 80 : i32
    %scan3A_77 = arith.addi %scan3A_75, %scan3A_76 : i32
    %scan3A_78 = arith.constant 1 : i32
    scf.for %scan3A_268 = %scan3A_75 to %scan3A_77 step %scan3A_78  : i32 {
      %get3A_269 = arith.index_cast %scan3A_268 : i32 to index
      %get3A_270 = arith.constant 0 : index
      %get3A_271 = tpu.vector_load %arg15[%get3A_269, %get3A_270] {strides = array<i32>} : memref<80x128xf32, #tpu.memory_space<vmem>>, vector<1x16xf32>,
      %get3A_272 = vector.shape_cast %get3A_271 : vector<1x16xf32> to vector<16xf32>
      %get3A_273 = arith.index_cast %scan3A_268 : i32 to index
      %get3A_274 = arith.constant 0 : index
      %get3A_275 = tpu.vector_load %arg13[%get3A_273, %get3A_274] {strides = array<i32>} : memref<80x128xf32, #tpu.memory_space<vmem>>, vector<1x16xf32>,
      %get3A_276 = vector.shape_cast %get3A_275 : vector<1x16xf32> to vector<16xf32>
      %mul3A_277 = arith.mulf %get3A_272, %get3A_276 : vector<16xf32>
      %swap3A_278 = arith.index_cast %scan3A_268 : i32 to index
      %swap3A_279 = arith.constant 0 : index
      %swap3A_280 = tpu.vector_load %arg15[%swap3A_278, %swap3A_279] {strides = array<i32>} : memref<80x128xf32, #tpu.memory_space<vmem>>, vector<1x16xf32>,
      %swap3A_281 = vector.shape_cast %swap3A_280 : vector<1x16xf32> to vector<16xf32>
      %swap3A_282 = vector.shape_cast %mul3A_277 : vector<16xf32> to vector<1x16xf32>
      tpu.vector_store %arg15[%swap3A_278, %swap3A_279], %swap3A_282 {strides = array<i32>} : memref<80x128xf32, #tpu.memory_space<vmem>>, vector<1x16xf32>,
      %get3A_283 = arith.index_cast %scan3A_268 : i32 to index
      %get3A_284 = arith.constant 16 : index
      %get3A_285 = tpu.vector_load %arg15[%get3A_283, %get3A_284] {strides = array<i32>} : memref<80x128xf32, #tpu.memory_space<vmem>>, vector<1x16xf32>,
      %get3A_286 = vector.shape_cast %get3A_285 : vector<1x16xf32> to vector<16xf32>
      %get3A_287 = arith.index_cast %scan3A_268 : i32 to index
      %get3A_288 = arith.constant 16 : index
      %get3A_289 = tpu.vector_load %arg13[%get3A_287, %get3A_288] {strides = array<i32>} : memref<80x128xf32, #tpu.memory_space<vmem>>, vector<1x16xf32>,
      %get3A_290 = vector.shape_cast %get3A_289 : vector<1x16xf32> to vector<16xf32>
      %mul3A_291 = arith.mulf %get3A_286, %get3A_290 : vector<16xf32>
      %swap3A_292 = arith.index_cast %scan3A_268 : i32 to index
      %swap3A_293 = arith.constant 16 : index
      %swap3A_294 = tpu.vector_load %arg15[%swap3A_292, %swap3A_293] {strides = array<i32>} : memref<80x128xf32, #tpu.memory_space<vmem>>, vector<1x16xf32>,
      %swap3A_295 = vector.shape_cast %swap3A_294 : vector<1x16xf32> to vector<16xf32>
      %swap3A_296 = vector.shape_cast %mul3A_291 : vector<16xf32> to vector<1x16xf32>
      tpu.vector_store %arg15[%swap3A_292, %swap3A_293], %swap3A_296 {strides = array<i32>} : memref<80x128xf32, #tpu.memory_space<vmem>>, vector<1x16xf32>,
      %get3A_297 = arith.index_cast %scan3A_268 : i32 to index
      %get3A_298 = arith.constant 32 : index
      %get3A_299 = tpu.vector_load %arg15[%get3A_297, %get3A_298] {strides = array<i32>} : memref<80x128xf32, #tpu.memory_space<vmem>>, vector<1x16xf32>,
      %get3A_300 = vector.shape_cast %get3A_299 : vector<1x16xf32> to vector<16xf32>
      %get3A_301 = arith.index_cast %scan3A_268 : i32 to index
      %get3A_302 = arith.constant 32 : index
      %get3A_303 = tpu.vector_load %arg13[%get3A_301, %get3A_302] {strides = array<i32>} : memref<80x128xf32, #tpu.memory_space<vmem>>, vector<1x16xf32>,
      %get3A_304 = vector.shape_cast %get3A_303 : vector<1x16xf32> to vector<16xf32>
      %mul3A_305 = arith.mulf %get3A_300, %get3A_304 : vector<16xf32>
      %swap3A_306 = arith.index_cast %scan3A_268 : i32 to index
      %swap3A_307 = arith.constant 32 : index
      %swap3A_308 = tpu.vector_load %arg15[%swap3A_306, %swap3A_307] {strides = array<i32>} : memref<80x128xf32, #tpu.memory_space<vmem>>, vector<1x16xf32>,
      %swap3A_309 = vector.shape_cast %swap3A_308 : vector<1x16xf32> to vector<16xf32>
      %swap3A_310 = vector.shape_cast %mul3A_305 : vector<16xf32> to vector<1x16xf32>
      tpu.vector_store %arg15[%swap3A_306, %swap3A_307], %swap3A_310 {strides = array<i32>} : memref<80x128xf32, #tpu.memory_space<vmem>>, vector<1x16xf32>,
      %get3A_311 = arith.index_cast %scan3A_268 : i32 to index
      %get3A_312 = arith.constant 48 : index
      %get3A_313 = tpu.vector_load %arg15[%get3A_311, %get3A_312] {strides = array<i32>} : memref<80x128xf32, #tpu.memory_space<vmem>>, vector<1x16xf32>,
      %get3A_314 = vector.shape_cast %get3A_313 : vector<1x16xf32> to vector<16xf32>
      %get3A_315 = arith.index_cast %scan3A_268 : i32 to index
      %get3A_316 = arith.constant 48 : index
      %get3A_317 = tpu.vector_load %arg13[%get3A_315, %get3A_316] {strides = array<i32>} : memref<80x128xf32, #tpu.memory_space<vmem>>, vector<1x16xf32>,
      %get3A_318 = vector.shape_cast %get3A_317 : vector<1x16xf32> to vector<16xf32>
      %mul3A_319 = arith.mulf %get3A_314, %get3A_318 : vector<16xf32>
      %swap3A_320 = arith.index_cast %scan3A_268 : i32 to index
      %swap3A_321 = arith.constant 48 : index
      %swap3A_322 = tpu.vector_load %arg15[%swap3A_320, %swap3A_321] {strides = array<i32>} : memref<80x128xf32, #tpu.memory_space<vmem>>, vector<1x16xf32>,
      %swap3A_323 = vector.shape_cast %swap3A_322 : vector<1x16xf32> to vector<16xf32>
      %swap3A_324 = vector.shape_cast %mul3A_319 : vector<16xf32> to vector<1x16xf32>
      tpu.vector_store %arg15[%swap3A_320, %swap3A_321], %swap3A_324 {strides = array<i32>} : memref<80x128xf32, #tpu.memory_space<vmem>>, vector<1x16xf32>,
      %get3A_325 = arith.index_cast %scan3A_268 : i32 to index
      %get3A_326 = arith.constant 64 : index
      %get3A_327 = tpu.vector_load %arg15[%get3A_325, %get3A_326] {strides = array<i32>} : memref<80x128xf32, #tpu.memory_space<vmem>>, vector<1x16xf32>,
      %get3A_328 = vector.shape_cast %get3A_327 : vector<1x16xf32> to vector<16xf32>
      %get3A_329 = arith.index_cast %scan3A_268 : i32 to index
      %get3A_330 = arith.constant 64 : index
      %get3A_331 = tpu.vector_load %arg13[%get3A_329, %get3A_330] {strides = array<i32>} : memref<80x128xf32, #tpu.memory_space<vmem>>, vector<1x16xf32>,
      %get3A_332 = vector.shape_cast %get3A_331 : vector<1x16xf32> to vector<16xf32>
      %mul3A_333 = arith.mulf %get3A_328, %get3A_332 : vector<16xf32>
      %swap3A_334 = arith.index_cast %scan3A_268 : i32 to index
      %swap3A_335 = arith.constant 64 : index
      %swap3A_336 = tpu.vector_load %arg15[%swap3A_334, %swap3A_335] {strides = array<i32>} : memref<80x128xf32, #tpu.memory_space<vmem>>, vector<1x16xf32>,
      %swap3A_337 = vector.shape_cast %swap3A_336 : vector<1x16xf32> to vector<16xf32>
      %swap3A_338 = vector.shape_cast %mul3A_333 : vector<16xf32> to vector<1x16xf32>
      tpu.vector_store %arg15[%swap3A_334, %swap3A_335], %swap3A_338 {strides = array<i32>} : memref<80x128xf32, #tpu.memory_space<vmem>>, vector<1x16xf32>,
      %get3A_339 = arith.index_cast %scan3A_268 : i32 to index
      %get3A_340 = arith.constant 80 : index
      %get3A_341 = tpu.vector_load %arg15[%get3A_339, %get3A_340] {strides = array<i32>} : memref<80x128xf32, #tpu.memory_space<vmem>>, vector<1x16xf32>,
      %get3A_342 = vector.shape_cast %get3A_341 : vector<1x16xf32> to vector<16xf32>
      %get3A_343 = arith.index_cast %scan3A_268 : i32 to index
      %get3A_344 = arith.constant 80 : index
      %get3A_345 = tpu.vector_load %arg13[%get3A_343, %get3A_344] {strides = array<i32>} : memref<80x128xf32, #tpu.memory_space<vmem>>, vector<1x16xf32>,
      %get3A_346 = vector.shape_cast %get3A_345 : vector<1x16xf32> to vector<16xf32>
      %mul3A_347 = arith.mulf %get3A_342, %get3A_346 : vector<16xf32>
      %swap3A_348 = arith.index_cast %scan3A_268 : i32 to index
      %swap3A_349 = arith.constant 80 : index
      %swap3A_350 = tpu.vector_load %arg15[%swap3A_348, %swap3A_349] {strides = array<i32>} : memref<80x128xf32, #tpu.memory_space<vmem>>, vector<1x16xf32>,
      %swap3A_351 = vector.shape_cast %swap3A_350 : vector<1x16xf32> to vector<16xf32>
      %swap3A_352 = vector.shape_cast %mul3A_347 : vector<16xf32> to vector<1x16xf32>
      tpu.vector_store %arg15[%swap3A_348, %swap3A_349], %swap3A_352 {strides = array<i32>} : memref<80x128xf32, #tpu.memory_space<vmem>>, vector<1x16xf32>,
      %get3A_353 = arith.index_cast %scan3A_268 : i32 to index
      %get3A_354 = arith.constant 96 : index
      %get3A_355 = tpu.vector_load %arg15[%get3A_353, %get3A_354] {strides = array<i32>} : memref<80x128xf32, #tpu.memory_space<vmem>>, vector<1x16xf32>,
      %get3A_356 = vector.shape_cast %get3A_355 : vector<1x16xf32> to vector<16xf32>
      %get3A_357 = arith.index_cast %scan3A_268 : i32 to index
      %get3A_358 = arith.constant 96 : index
      %get3A_359 = tpu.vector_load %arg13[%get3A_357, %get3A_358] {strides = array<i32>} : memref<80x128xf32, #tpu.memory_space<vmem>>, vector<1x16xf32>,
      %get3A_360 = vector.shape_cast %get3A_359 : vector<1x16xf32> to vector<16xf32>
      %mul3A_361 = arith.mulf %get3A_356, %get3A_360 : vector<16xf32>
      %swap3A_362 = arith.index_cast %scan3A_268 : i32 to index
      %swap3A_363 = arith.constant 96 : index
      %swap3A_364 = tpu.vector_load %arg15[%swap3A_362, %swap3A_363] {strides = array<i32>} : memref<80x128xf32, #tpu.memory_space<vmem>>, vector<1x16xf32>,
      %swap3A_365 = vector.shape_cast %swap3A_364 : vector<1x16xf32> to vector<16xf32>
      %swap3A_366 = vector.shape_cast %mul3A_361 : vector<16xf32> to vector<1x16xf32>
      tpu.vector_store %arg15[%swap3A_362, %swap3A_363], %swap3A_366 {strides = array<i32>} : memref<80x128xf32, #tpu.memory_space<vmem>>, vector<1x16xf32>,
      %get3A_367 = arith.index_cast %scan3A_268 : i32 to index
      %get3A_368 = arith.constant 112 : index
      %get3A_369 = tpu.vector_load %arg15[%get3A_367, %get3A_368] {strides = array<i32>} : memref<80x128xf32, #tpu.memory_space<vmem>>, vector<1x16xf32>,
      %get3A_370 = vector.shape_cast %get3A_369 : vector<1x16xf32> to vector<16xf32>
      %get3A_371 = arith.index_cast %scan3A_268 : i32 to index
      %get3A_372 = arith.constant 112 : index
      %get3A_373 = tpu.vector_load %arg13[%get3A_371, %get3A_372] {strides = array<i32>} : memref<80x128xf32, #tpu.memory_space<vmem>>, vector<1x16xf32>,
      %get3A_374 = vector.shape_cast %get3A_373 : vector<1x16xf32> to vector<16xf32>
      %mul3A_375 = arith.mulf %get3A_370, %get3A_374 : vector<16xf32>
      %swap3A_376 = arith.index_cast %scan3A_268 : i32 to index
      %swap3A_377 = arith.constant 112 : index
      %swap3A_378 = tpu.vector_load %arg15[%swap3A_376, %swap3A_377] {strides = array<i32>} : memref<80x128xf32, #tpu.memory_space<vmem>>, vector<1x16xf32>,
      %swap3A_379 = vector.shape_cast %swap3A_378 : vector<1x16xf32> to vector<16xf32>
      %swap3A_380 = vector.shape_cast %mul3A_375 : vector<16xf32> to vector<1x16xf32>
      tpu.vector_store %arg15[%swap3A_376, %swap3A_377], %swap3A_380 {strides = array<i32>} : memref<80x128xf32, #tpu.memory_space<vmem>>, vector<1x16xf32>,
    }
    %scan3A_79 = arith.constant 80 : i32
    %get3A = arith.constant 0 : index
    %get3A_80 = tpu.vector_load %arg9[%get3A] {strides = array<i32>} : memref<80xi32, #tpu.memory_space<vmem>>, vector<16xi32>,
    %get3A_81 = vector.shape_cast %get3A_80 : vector<16xi32> to vector<16xi32>
    %swap3A = arith.constant 0 : index
    %swap3A_82 = tpu.vector_load %arg11[%swap3A] {strides = array<i32>} : memref<80xi32, #tpu.memory_space<vmem>>, vector<16xi32>,
    %swap3A_83 = vector.shape_cast %swap3A_82 : vector<16xi32> to vector<16xi32>
    %swap3A_84 = vector.shape_cast %get3A_81 : vector<16xi32> to vector<16xi32>
    tpu.vector_store %arg11[%swap3A], %swap3A_84 {strides = array<i32>} : memref<80xi32, #tpu.memory_space<vmem>>, vector<16xi32>,
    %get3A_85 = arith.constant 16 : index
    %get3A_86 = tpu.vector_load %arg9[%get3A_85] {strides = array<i32>} : memref<80xi32, #tpu.memory_space<vmem>>, vector<16xi32>,
    %get3A_87 = vector.shape_cast %get3A_86 : vector<16xi32> to vector<16xi32>
    %swap3A_88 = arith.constant 16 : index
    %swap3A_89 = tpu.vector_load %arg11[%swap3A_88] {strides = array<i32>} : memref<80xi32, #tpu.memory_space<vmem>>, vector<16xi32>,
    %swap3A_90 = vector.shape_cast %swap3A_89 : vector<16xi32> to vector<16xi32>
    %swap3A_91 = vector.shape_cast %get3A_87 : vector<16xi32> to vector<16xi32>
    tpu.vector_store %arg11[%swap3A_88], %swap3A_91 {strides = array<i32>} : memref<80xi32, #tpu.memory_space<vmem>>, vector<16xi32>,
    %get3A_92 = arith.constant 32 : index
    %get3A_93 = tpu.vector_load %arg9[%get3A_92] {strides = array<i32>} : memref<80xi32, #tpu.memory_space<vmem>>, vector<16xi32>,
    %get3A_94 = vector.shape_cast %get3A_93 : vector<16xi32> to vector<16xi32>
    %swap3A_95 = arith.constant 32 : index
    %swap3A_96 = tpu.vector_load %arg11[%swap3A_95] {strides = array<i32>} : memref<80xi32, #tpu.memory_space<vmem>>, vector<16xi32>,
    %swap3A_97 = vector.shape_cast %swap3A_96 : vector<16xi32> to vector<16xi32>
    %swap3A_98 = vector.shape_cast %get3A_94 : vector<16xi32> to vector<16xi32>
    tpu.vector_store %arg11[%swap3A_95], %swap3A_98 {strides = array<i32>} : memref<80xi32, #tpu.memory_space<vmem>>, vector<16xi32>,
    %get3A_99 = arith.constant 48 : index
    %get3A_100 = tpu.vector_load %arg9[%get3A_99] {strides = array<i32>} : memref<80xi32, #tpu.memory_space<vmem>>, vector<16xi32>,
    %get3A_101 = vector.shape_cast %get3A_100 : vector<16xi32> to vector<16xi32>
    %swap3A_102 = arith.constant 48 : index
    %swap3A_103 = tpu.vector_load %arg11[%swap3A_102] {strides = array<i32>} : memref<80xi32, #tpu.memory_space<vmem>>, vector<16xi32>,
    %swap3A_104 = vector.shape_cast %swap3A_103 : vector<16xi32> to vector<16xi32>
    %swap3A_105 = vector.shape_cast %get3A_101 : vector<16xi32> to vector<16xi32>
    tpu.vector_store %arg11[%swap3A_102], %swap3A_105 {strides = array<i32>} : memref<80xi32, #tpu.memory_space<vmem>>, vector<16xi32>,
    %get3A_106 = arith.constant 64 : index
    %get3A_107 = tpu.vector_load %arg9[%get3A_106] {strides = array<i32>} : memref<80xi32, #tpu.memory_space<vmem>>, vector<16xi32>,
    %get3A_108 = vector.shape_cast %get3A_107 : vector<16xi32> to vector<16xi32>
    %swap3A_109 = arith.constant 64 : index
    %swap3A_110 = tpu.vector_load %arg11[%swap3A_109] {strides = array<i32>} : memref<80xi32, #tpu.memory_space<vmem>>, vector<16xi32>,
    %swap3A_111 = vector.shape_cast %swap3A_110 : vector<16xi32> to vector<16xi32>
    %swap3A_112 = vector.shape_cast %get3A_108 : vector<16xi32> to vector<16xi32>
    tpu.vector_store %arg11[%swap3A_109], %swap3A_112 {strides = array<i32>} : memref<80xi32, #tpu.memory_space<vmem>>, vector<16xi32>,
    %dma_start3A_113 = arith.constant 0 : i32
    %dma_start3A_114 = arith.constant 0 : i32
    %dma_start3A_115 = tpu.memref_slice %arg18[%dma_start3A_113, %dma_start3A_114] : memref<10000x128xf32, #tpu.memory_space<vmem_shared>> -> memref<10000x128xf32, #tpu.memory_space<vmem_shared>>
    tpu.enqueue_indirect_dma source(%arg15 : memref<80x128xf32, #tpu.memory_space<vmem>>) target(%dma_start3A_115 : memref<10000x128xf32, #tpu.memory_space<vmem_shared>>) offsets(%arg11 : memref<80xi32, #tpu.memory_space<vmem>>) semaphore(%arg23 : memref<!tpu.dma_semaphore, #tpu.memory_space<semaphore_mem>>) {add = true}
    %add3A_116 = arith.constant 160 : i32
    %add3A_117 = arith.addi %add3A, %add3A_116 : i32
    %dma_start3A_118 = tpu.memref_slice %arg4[%add3A_117] : memref<320000xi32, #tpu.memory_space<hbm>> -> memref<80xi32, #tpu.memory_space<hbm>>
    %dma_start3A_119 = tpu.memref_slice %arg4[%add3A_117] : memref<320000xi32, #tpu.memory_space<hbm>> -> memref<80xi32, #tpu.memory_space<hbm>>
    tpu.enqueue_dma source(%dma_start3A_119 : memref<80xi32, #tpu.memory_space<hbm>>) target(%arg7 : memref<80xi32, #tpu.memory_space<vmem>>) target_semaphore(%arg19 : memref<!tpu.dma_semaphore, #tpu.memory_space<semaphore_mem>>)
    %dma_start3A_120 = tpu.memref_slice %arg5[%add3A_117] : memref<320000xi32, #tpu.memory_space<hbm>> -> memref<80xi32, #tpu.memory_space<hbm>>
    %dma_start3A_121 = tpu.memref_slice %arg5[%add3A_117] : memref<320000xi32, #tpu.memory_space<hbm>> -> memref<80xi32, #tpu.memory_space<hbm>>
    tpu.enqueue_dma source(%dma_start3A_121 : memref<80xi32, #tpu.memory_space<hbm>>) target(%arg9 : memref<80xi32, #tpu.memory_space<vmem>>) target_semaphore(%arg19 : memref<!tpu.dma_semaphore, #tpu.memory_space<semaphore_mem>>)
    %dma_start3A_122 = arith.constant 0 : i32
    %dma_start3A_123 = tpu.memref_slice %arg3[%add3A_117, %dma_start3A_122] : memref<320000x128xf32, #tpu.memory_space<hbm>> -> memref<80x128xf32, #tpu.memory_space<hbm>>
    %dma_start3A_124 = arith.constant 0 : i32
    %dma_start3A_125 = tpu.memref_slice %arg3[%add3A_117, %dma_start3A_124] : memref<320000x128xf32, #tpu.memory_space<hbm>> -> memref<80x128xf32, #tpu.memory_space<hbm>>
    tpu.enqueue_dma source(%dma_start3A_125 : memref<80x128xf32, #tpu.memory_space<hbm>>) target(%arg13 : memref<80x128xf32, #tpu.memory_space<vmem>>) target_semaphore(%arg19 : memref<!tpu.dma_semaphore, #tpu.memory_space<semaphore_mem>>)
    %dma_wait3A_126 = arith.constant 0 : i32
    %dma_wait3A_127 = arith.constant 0 : i32
    %dma_wait3A_128 = tpu.memref_slice %arg2[%dma_wait3A_126, %dma_wait3A_127] : memref<10000x128xf32, #tpu.memory_space<hbm>> -> memref<10000x128xf32, #tpu.memory_space<hbm>>
    tpu.wait_indirect_dma semaphore(%arg22 : memref<!tpu.dma_semaphore, #tpu.memory_space<semaphore_mem>>) src(%dma_wait3A_128 : memref<10000x128xf32, #tpu.memory_space<hbm>>) dst(%arg16 : memref<80x128xf32, #tpu.memory_space<vmem>>)
    %scan3A_129 = arith.constant 0 : i32
    %scan3A_130 = arith.constant 0 : i32
    %scan3A_131 = arith.constant 80 : i32
    %scan3A_132 = arith.addi %scan3A_130, %scan3A_131 : i32
    %scan3A_133 = arith.constant 1 : i32
    scf.for %scan3A_268 = %scan3A_130 to %scan3A_132 step %scan3A_133  : i32 {
      %get3A_269 = arith.index_cast %scan3A_268 : i32 to index
      %get3A_270 = arith.constant 0 : index
      %get3A_271 = tpu.vector_load %arg16[%get3A_269, %get3A_270] {strides = array<i32>} : memref<80x128xf32, #tpu.memory_space<vmem>>, vector<1x16xf32>,
      %get3A_272 = vector.shape_cast %get3A_271 : vector<1x16xf32> to vector<16xf32>
      %get3A_273 = arith.index_cast %scan3A_268 : i32 to index
      %get3A_274 = arith.constant 0 : index
      %get3A_275 = tpu.vector_load %arg14[%get3A_273, %get3A_274] {strides = array<i32>} : memref<80x128xf32, #tpu.memory_space<vmem>>, vector<1x16xf32>,
      %get3A_276 = vector.shape_cast %get3A_275 : vector<1x16xf32> to vector<16xf32>
      %mul3A_277 = arith.mulf %get3A_272, %get3A_276 : vector<16xf32>
      %swap3A_278 = arith.index_cast %scan3A_268 : i32 to index
      %swap3A_279 = arith.constant 0 : index
      %swap3A_280 = tpu.vector_load %arg16[%swap3A_278, %swap3A_279] {strides = array<i32>} : memref<80x128xf32, #tpu.memory_space<vmem>>, vector<1x16xf32>,
      %swap3A_281 = vector.shape_cast %swap3A_280 : vector<1x16xf32> to vector<16xf32>
      %swap3A_282 = vector.shape_cast %mul3A_277 : vector<16xf32> to vector<1x16xf32>
      tpu.vector_store %arg16[%swap3A_278, %swap3A_279], %swap3A_282 {strides = array<i32>} : memref<80x128xf32, #tpu.memory_space<vmem>>, vector<1x16xf32>,
      %get3A_283 = arith.index_cast %scan3A_268 : i32 to index
      %get3A_284 = arith.constant 16 : index
      %get3A_285 = tpu.vector_load %arg16[%get3A_283, %get3A_284] {strides = array<i32>} : memref<80x128xf32, #tpu.memory_space<vmem>>, vector<1x16xf32>,
      %get3A_286 = vector.shape_cast %get3A_285 : vector<1x16xf32> to vector<16xf32>
      %get3A_287 = arith.index_cast %scan3A_268 : i32 to index
      %get3A_288 = arith.constant 16 : index
      %get3A_289 = tpu.vector_load %arg14[%get3A_287, %get3A_288] {strides = array<i32>} : memref<80x128xf32, #tpu.memory_space<vmem>>, vector<1x16xf32>,
      %get3A_290 = vector.shape_cast %get3A_289 : vector<1x16xf32> to vector<16xf32>
      %mul3A_291 = arith.mulf %get3A_286, %get3A_290 : vector<16xf32>
      %swap3A_292 = arith.index_cast %scan3A_268 : i32 to index
      %swap3A_293 = arith.constant 16 : index
      %swap3A_294 = tpu.vector_load %arg16[%swap3A_292, %swap3A_293] {strides = array<i32>} : memref<80x128xf32, #tpu.memory_space<vmem>>, vector<1x16xf32>,
      %swap3A_295 = vector.shape_cast %swap3A_294 : vector<1x16xf32> to vector<16xf32>
      %swap3A_296 = vector.shape_cast %mul3A_291 : vector<16xf32> to vector<1x16xf32>
      tpu.vector_store %arg16[%swap3A_292, %swap3A_293], %swap3A_296 {strides = array<i32>} : memref<80x128xf32, #tpu.memory_space<vmem>>, vector<1x16xf32>,
      %get3A_297 = arith.index_cast %scan3A_268 : i32 to index
      %get3A_298 = arith.constant 32 : index
      %get3A_299 = tpu.vector_load %arg16[%get3A_297, %get3A_298] {strides = array<i32>} : memref<80x128xf32, #tpu.memory_space<vmem>>, vector<1x16xf32>,
      %get3A_300 = vector.shape_cast %get3A_299 : vector<1x16xf32> to vector<16xf32>
      %get3A_301 = arith.index_cast %scan3A_268 : i32 to index
      %get3A_302 = arith.constant 32 : index
      %get3A_303 = tpu.vector_load %arg14[%get3A_301, %get3A_302] {strides = array<i32>} : memref<80x128xf32, #tpu.memory_space<vmem>>, vector<1x16xf32>,
      %get3A_304 = vector.shape_cast %get3A_303 : vector<1x16xf32> to vector<16xf32>
      %mul3A_305 = arith.mulf %get3A_300, %get3A_304 : vector<16xf32>
      %swap3A_306 = arith.index_cast %scan3A_268 : i32 to index
      %swap3A_307 = arith.constant 32 : index
      %swap3A_308 = tpu.vector_load %arg16[%swap3A_306, %swap3A_307] {strides = array<i32>} : memref<80x128xf32, #tpu.memory_space<vmem>>, vector<1x16xf32>,
      %swap3A_309 = vector.shape_cast %swap3A_308 : vector<1x16xf32> to vector<16xf32>
      %swap3A_310 = vector.shape_cast %mul3A_305 : vector<16xf32> to vector<1x16xf32>
      tpu.vector_store %arg16[%swap3A_306, %swap3A_307], %swap3A_310 {strides = array<i32>} : memref<80x128xf32, #tpu.memory_space<vmem>>, vector<1x16xf32>,
      %get3A_311 = arith.index_cast %scan3A_268 : i32 to index
      %get3A_312 = arith.constant 48 : index
      %get3A_313 = tpu.vector_load %arg16[%get3A_311, %get3A_312] {strides = array<i32>} : memref<80x128xf32, #tpu.memory_space<vmem>>, vector<1x16xf32>,
      %get3A_314 = vector.shape_cast %get3A_313 : vector<1x16xf32> to vector<16xf32>
      %get3A_315 = arith.index_cast %scan3A_268 : i32 to index
      %get3A_316 = arith.constant 48 : index
      %get3A_317 = tpu.vector_load %arg14[%get3A_315, %get3A_316] {strides = array<i32>} : memref<80x128xf32, #tpu.memory_space<vmem>>, vector<1x16xf32>,
      %get3A_318 = vector.shape_cast %get3A_317 : vector<1x16xf32> to vector<16xf32>
      %mul3A_319 = arith.mulf %get3A_314, %get3A_318 : vector<16xf32>
      %swap3A_320 = arith.index_cast %scan3A_268 : i32 to index
      %swap3A_321 = arith.constant 48 : index
      %swap3A_322 = tpu.vector_load %arg16[%swap3A_320, %swap3A_321] {strides = array<i32>} : memref<80x128xf32, #tpu.memory_space<vmem>>, vector<1x16xf32>,
      %swap3A_323 = vector.shape_cast %swap3A_322 : vector<1x16xf32> to vector<16xf32>
      %swap3A_324 = vector.shape_cast %mul3A_319 : vector<16xf32> to vector<1x16xf32>
      tpu.vector_store %arg16[%swap3A_320, %swap3A_321], %swap3A_324 {strides = array<i32>} : memref<80x128xf32, #tpu.memory_space<vmem>>, vector<1x16xf32>,
      %get3A_325 = arith.index_cast %scan3A_268 : i32 to index
      %get3A_326 = arith.constant 64 : index
      %get3A_327 = tpu.vector_load %arg16[%get3A_325, %get3A_326] {strides = array<i32>} : memref<80x128xf32, #tpu.memory_space<vmem>>, vector<1x16xf32>,
      %get3A_328 = vector.shape_cast %get3A_327 : vector<1x16xf32> to vector<16xf32>
      %get3A_329 = arith.index_cast %scan3A_268 : i32 to index
      %get3A_330 = arith.constant 64 : index
      %get3A_331 = tpu.vector_load %arg14[%get3A_329, %get3A_330] {strides = array<i32>} : memref<80x128xf32, #tpu.memory_space<vmem>>, vector<1x16xf32>,
      %get3A_332 = vector.shape_cast %get3A_331 : vector<1x16xf32> to vector<16xf32>
      %mul3A_333 = arith.mulf %get3A_328, %get3A_332 : vector<16xf32>
      %swap3A_334 = arith.index_cast %scan3A_268 : i32 to index
      %swap3A_335 = arith.constant 64 : index
      %swap3A_336 = tpu.vector_load %arg16[%swap3A_334, %swap3A_335] {strides = array<i32>} : memref<80x128xf32, #tpu.memory_space<vmem>>, vector<1x16xf32>,
      %swap3A_337 = vector.shape_cast %swap3A_336 : vector<1x16xf32> to vector<16xf32>
      %swap3A_338 = vector.shape_cast %mul3A_333 : vector<16xf32> to vector<1x16xf32>
      tpu.vector_store %arg16[%swap3A_334, %swap3A_335], %swap3A_338 {strides = array<i32>} : memref<80x128xf32, #tpu.memory_space<vmem>>, vector<1x16xf32>,
      %get3A_339 = arith.index_cast %scan3A_268 : i32 to index
      %get3A_340 = arith.constant 80 : index
      %get3A_341 = tpu.vector_load %arg16[%get3A_339, %get3A_340] {strides = array<i32>} : memref<80x128xf32, #tpu.memory_space<vmem>>, vector<1x16xf32>,
      %get3A_342 = vector.shape_cast %get3A_341 : vector<1x16xf32> to vector<16xf32>
      %get3A_343 = arith.index_cast %scan3A_268 : i32 to index
      %get3A_344 = arith.constant 80 : index
      %get3A_345 = tpu.vector_load %arg14[%get3A_343, %get3A_344] {strides = array<i32>} : memref<80x128xf32, #tpu.memory_space<vmem>>, vector<1x16xf32>,
      %get3A_346 = vector.shape_cast %get3A_345 : vector<1x16xf32> to vector<16xf32>
      %mul3A_347 = arith.mulf %get3A_342, %get3A_346 : vector<16xf32>
      %swap3A_348 = arith.index_cast %scan3A_268 : i32 to index
      %swap3A_349 = arith.constant 80 : index
      %swap3A_350 = tpu.vector_load %arg16[%swap3A_348, %swap3A_349] {strides = array<i32>} : memref<80x128xf32, #tpu.memory_space<vmem>>, vector<1x16xf32>,
      %swap3A_351 = vector.shape_cast %swap3A_350 : vector<1x16xf32> to vector<16xf32>
      %swap3A_352 = vector.shape_cast %mul3A_347 : vector<16xf32> to vector<1x16xf32>
      tpu.vector_store %arg16[%swap3A_348, %swap3A_349], %swap3A_352 {strides = array<i32>} : memref<80x128xf32, #tpu.memory_space<vmem>>, vector<1x16xf32>,
      %get3A_353 = arith.index_cast %scan3A_268 : i32 to index
      %get3A_354 = arith.constant 96 : index
      %get3A_355 = tpu.vector_load %arg16[%get3A_353, %get3A_354] {strides = array<i32>} : memref<80x128xf32, #tpu.memory_space<vmem>>, vector<1x16xf32>,
      %get3A_356 = vector.shape_cast %get3A_355 : vector<1x16xf32> to vector<16xf32>
      %get3A_357 = arith.index_cast %scan3A_268 : i32 to index
      %get3A_358 = arith.constant 96 : index
      %get3A_359 = tpu.vector_load %arg14[%get3A_357, %get3A_358] {strides = array<i32>} : memref<80x128xf32, #tpu.memory_space<vmem>>, vector<1x16xf32>,
      %get3A_360 = vector.shape_cast %get3A_359 : vector<1x16xf32> to vector<16xf32>
      %mul3A_361 = arith.mulf %get3A_356, %get3A_360 : vector<16xf32>
      %swap3A_362 = arith.index_cast %scan3A_268 : i32 to index
      %swap3A_363 = arith.constant 96 : index
      %swap3A_364 = tpu.vector_load %arg16[%swap3A_362, %swap3A_363] {strides = array<i32>} : memref<80x128xf32, #tpu.memory_space<vmem>>, vector<1x16xf32>,
      %swap3A_365 = vector.shape_cast %swap3A_364 : vector<1x16xf32> to vector<16xf32>
      %swap3A_366 = vector.shape_cast %mul3A_361 : vector<16xf32> to vector<1x16xf32>
      tpu.vector_store %arg16[%swap3A_362, %swap3A_363], %swap3A_366 {strides = array<i32>} : memref<80x128xf32, #tpu.memory_space<vmem>>, vector<1x16xf32>,
      %get3A_367 = arith.index_cast %scan3A_268 : i32 to index
      %get3A_368 = arith.constant 112 : index
      %get3A_369 = tpu.vector_load %arg16[%get3A_367, %get3A_368] {strides = array<i32>} : memref<80x128xf32, #tpu.memory_space<vmem>>, vector<1x16xf32>,
      %get3A_370 = vector.shape_cast %get3A_369 : vector<1x16xf32> to vector<16xf32>
      %get3A_371 = arith.index_cast %scan3A_268 : i32 to index
      %get3A_372 = arith.constant 112 : index
      %get3A_373 = tpu.vector_load %arg14[%get3A_371, %get3A_372] {strides = array<i32>} : memref<80x128xf32, #tpu.memory_space<vmem>>, vector<1x16xf32>,
      %get3A_374 = vector.shape_cast %get3A_373 : vector<1x16xf32> to vector<16xf32>
      %mul3A_375 = arith.mulf %get3A_370, %get3A_374 : vector<16xf32>
      %swap3A_376 = arith.index_cast %scan3A_268 : i32 to index
      %swap3A_377 = arith.constant 112 : index
      %swap3A_378 = tpu.vector_load %arg16[%swap3A_376, %swap3A_377] {strides = array<i32>} : memref<80x128xf32, #tpu.memory_space<vmem>>, vector<1x16xf32>,
      %swap3A_379 = vector.shape_cast %swap3A_378 : vector<1x16xf32> to vector<16xf32>
      %swap3A_380 = vector.shape_cast %mul3A_375 : vector<16xf32> to vector<1x16xf32>
      tpu.vector_store %arg16[%swap3A_376, %swap3A_377], %swap3A_380 {strides = array<i32>} : memref<80x128xf32, #tpu.memory_space<vmem>>, vector<1x16xf32>,
    }
    %scan3A_134 = arith.constant 80 : i32
    %get3A_135 = arith.constant 0 : index
    %get3A_136 = tpu.vector_load %arg10[%get3A_135] {strides = array<i32>} : memref<80xi32, #tpu.memory_space<vmem>>, vector<16xi32>,
    %get3A_137 = vector.shape_cast %get3A_136 : vector<16xi32> to vector<16xi32>
    %swap3A_138 = arith.constant 0 : index
    %swap3A_139 = tpu.vector_load %arg12[%swap3A_138] {strides = array<i32>} : memref<80xi32, #tpu.memory_space<vmem>>, vector<16xi32>,
    %swap3A_140 = vector.shape_cast %swap3A_139 : vector<16xi32> to vector<16xi32>
    %swap3A_141 = vector.shape_cast %get3A_137 : vector<16xi32> to vector<16xi32>
    tpu.vector_store %arg12[%swap3A_138], %swap3A_141 {strides = array<i32>} : memref<80xi32, #tpu.memory_space<vmem>>, vector<16xi32>,
    %get3A_142 = arith.constant 16 : index
    %get3A_143 = tpu.vector_load %arg10[%get3A_142] {strides = array<i32>} : memref<80xi32, #tpu.memory_space<vmem>>, vector<16xi32>,
    %get3A_144 = vector.shape_cast %get3A_143 : vector<16xi32> to vector<16xi32>
    %swap3A_145 = arith.constant 16 : index
    %swap3A_146 = tpu.vector_load %arg12[%swap3A_145] {strides = array<i32>} : memref<80xi32, #tpu.memory_space<vmem>>, vector<16xi32>,
    %swap3A_147 = vector.shape_cast %swap3A_146 : vector<16xi32> to vector<16xi32>
    %swap3A_148 = vector.shape_cast %get3A_144 : vector<16xi32> to vector<16xi32>
    tpu.vector_store %arg12[%swap3A_145], %swap3A_148 {strides = array<i32>} : memref<80xi32, #tpu.memory_space<vmem>>, vector<16xi32>,
    %get3A_149 = arith.constant 32 : index
    %get3A_150 = tpu.vector_load %arg10[%get3A_149] {strides = array<i32>} : memref<80xi32, #tpu.memory_space<vmem>>, vector<16xi32>,
    %get3A_151 = vector.shape_cast %get3A_150 : vector<16xi32> to vector<16xi32>
    %swap3A_152 = arith.constant 32 : index
    %swap3A_153 = tpu.vector_load %arg12[%swap3A_152] {strides = array<i32>} : memref<80xi32, #tpu.memory_space<vmem>>, vector<16xi32>,
    %swap3A_154 = vector.shape_cast %swap3A_153 : vector<16xi32> to vector<16xi32>
    %swap3A_155 = vector.shape_cast %get3A_151 : vector<16xi32> to vector<16xi32>
    tpu.vector_store %arg12[%swap3A_152], %swap3A_155 {strides = array<i32>} : memref<80xi32, #tpu.memory_space<vmem>>, vector<16xi32>,
    %get3A_156 = arith.constant 48 : index
    %get3A_157 = tpu.vector_load %arg10[%get3A_156] {strides = array<i32>} : memref<80xi32, #tpu.memory_space<vmem>>, vector<16xi32>,
    %get3A_158 = vector.shape_cast %get3A_157 : vector<16xi32> to vector<16xi32>
    %swap3A_159 = arith.constant 48 : index
    %swap3A_160 = tpu.vector_load %arg12[%swap3A_159] {strides = array<i32>} : memref<80xi32, #tpu.memory_space<vmem>>, vector<16xi32>,
    %swap3A_161 = vector.shape_cast %swap3A_160 : vector<16xi32> to vector<16xi32>
    %swap3A_162 = vector.shape_cast %get3A_158 : vector<16xi32> to vector<16xi32>
    tpu.vector_store %arg12[%swap3A_159], %swap3A_162 {strides = array<i32>} : memref<80xi32, #tpu.memory_space<vmem>>, vector<16xi32>,
    %get3A_163 = arith.constant 64 : index
    %get3A_164 = tpu.vector_load %arg10[%get3A_163] {strides = array<i32>} : memref<80xi32, #tpu.memory_space<vmem>>, vector<16xi32>,
    %get3A_165 = vector.shape_cast %get3A_164 : vector<16xi32> to vector<16xi32>
    %swap3A_166 = arith.constant 64 : index
    %swap3A_167 = tpu.vector_load %arg12[%swap3A_166] {strides = array<i32>} : memref<80xi32, #tpu.memory_space<vmem>>, vector<16xi32>,
    %swap3A_168 = vector.shape_cast %swap3A_167 : vector<16xi32> to vector<16xi32>
    %swap3A_169 = vector.shape_cast %get3A_165 : vector<16xi32> to vector<16xi32>
    tpu.vector_store %arg12[%swap3A_166], %swap3A_169 {strides = array<i32>} : memref<80xi32, #tpu.memory_space<vmem>>, vector<16xi32>,
    %dma_start3A_170 = arith.constant 0 : i32
    %dma_start3A_171 = arith.constant 0 : i32
    %dma_start3A_172 = tpu.memref_slice %arg18[%dma_start3A_170, %dma_start3A_171] : memref<10000x128xf32, #tpu.memory_space<vmem_shared>> -> memref<10000x128xf32, #tpu.memory_space<vmem_shared>>
    tpu.enqueue_indirect_dma source(%arg16 : memref<80x128xf32, #tpu.memory_space<vmem>>) target(%dma_start3A_172 : memref<10000x128xf32, #tpu.memory_space<vmem_shared>>) offsets(%arg12 : memref<80xi32, #tpu.memory_space<vmem>>) semaphore(%arg24 : memref<!tpu.dma_semaphore, #tpu.memory_space<semaphore_mem>>) {add = true}
    %add3A_173 = arith.constant 240 : i32
    %add3A_174 = arith.addi %add3A, %add3A_173 : i32
    %dma_start3A_175 = tpu.memref_slice %arg4[%add3A_174] : memref<320000xi32, #tpu.memory_space<hbm>> -> memref<80xi32, #tpu.memory_space<hbm>>
    %dma_start3A_176 = tpu.memref_slice %arg4[%add3A_174] : memref<320000xi32, #tpu.memory_space<hbm>> -> memref<80xi32, #tpu.memory_space<hbm>>
    tpu.enqueue_dma source(%dma_start3A_176 : memref<80xi32, #tpu.memory_space<hbm>>) target(%arg8 : memref<80xi32, #tpu.memory_space<vmem>>) target_semaphore(%arg20 : memref<!tpu.dma_semaphore, #tpu.memory_space<semaphore_mem>>)
    %dma_start3A_177 = tpu.memref_slice %arg5[%add3A_174] : memref<320000xi32, #tpu.memory_space<hbm>> -> memref<80xi32, #tpu.memory_space<hbm>>
    %dma_start3A_178 = tpu.memref_slice %arg5[%add3A_174] : memref<320000xi32, #tpu.memory_space<hbm>> -> memref<80xi32, #tpu.memory_space<hbm>>
    tpu.enqueue_dma source(%dma_start3A_178 : memref<80xi32, #tpu.memory_space<hbm>>) target(%arg10 : memref<80xi32, #tpu.memory_space<vmem>>) target_semaphore(%arg20 : memref<!tpu.dma_semaphore, #tpu.memory_space<semaphore_mem>>)
    %dma_start3A_179 = arith.constant 0 : i32
    %dma_start3A_180 = tpu.memref_slice %arg3[%add3A_174, %dma_start3A_179] : memref<320000x128xf32, #tpu.memory_space<hbm>> -> memref<80x128xf32, #tpu.memory_space<hbm>>
    %dma_start3A_181 = arith.constant 0 : i32
    %dma_start3A_182 = tpu.memref_slice %arg3[%add3A_174, %dma_start3A_181] : memref<320000x128xf32, #tpu.memory_space<hbm>> -> memref<80x128xf32, #tpu.memory_space<hbm>>
    tpu.enqueue_dma source(%dma_start3A_182 : memref<80x128xf32, #tpu.memory_space<hbm>>) target(%arg14 : memref<80x128xf32, #tpu.memory_space<vmem>>) target_semaphore(%arg20 : memref<!tpu.dma_semaphore, #tpu.memory_space<semaphore_mem>>)
    %scan3A_183 = arith.constant 0 : i32
    %scan3A_184 = arith.constant 1 : i32
    %scan3A_185 = arith.constant 61 : i32
    %scan3A_186 = arith.addi %scan3A_184, %scan3A_185 : i32
    %scan3A_187 = arith.constant 1 : i32
    scf.for %scan3A_268 = %scan3A_184 to %scan3A_186 step %scan3A_187  : i32 {
      %mul3A_269 = arith.constant 2 : i32
      %mul3A_270 = arith.muli %mul3A_269, %scan3A_268 : i32
      %dma_wait3A_271 = arith.constant 0 : i32
      %dma_wait3A_272 = tpu.memref_slice %arg4[%dma_wait3A_271] : memref<320000xi32, #tpu.memory_space<hbm>> -> memref<80xi32, #tpu.memory_space<hbm>>
      %dma_wait3A_273 = arith.constant 0 : i32
      %dma_wait3A_274 = tpu.memref_slice %arg4[%dma_wait3A_273] : memref<320000xi32, #tpu.memory_space<hbm>> -> memref<80xi32, #tpu.memory_space<hbm>>
      tpu.wait_dma2 semaphore(%arg19 : memref<!tpu.dma_semaphore, #tpu.memory_space<semaphore_mem>>) src(%dma_wait3A_274 : memref<80xi32, #tpu.memory_space<hbm>>) dst(%arg7 : memref<80xi32, #tpu.memory_space<vmem>>)
      %dma_wait3A_275 = arith.constant 0 : i32
      %dma_wait3A_276 = tpu.memref_slice %arg5[%dma_wait3A_275] : memref<320000xi32, #tpu.memory_space<hbm>> -> memref<80xi32, #tpu.memory_space<hbm>>
      %dma_wait3A_277 = arith.constant 0 : i32
      %dma_wait3A_278 = tpu.memref_slice %arg5[%dma_wait3A_277] : memref<320000xi32, #tpu.memory_space<hbm>> -> memref<80xi32, #tpu.memory_space<hbm>>
      tpu.wait_dma2 semaphore(%arg19 : memref<!tpu.dma_semaphore, #tpu.memory_space<semaphore_mem>>) src(%dma_wait3A_278 : memref<80xi32, #tpu.memory_space<hbm>>) dst(%arg9 : memref<80xi32, #tpu.memory_space<vmem>>)
      %dma_wait3A_279 = arith.constant 0 : i32
      %dma_wait3A_280 = arith.constant 0 : i32
      %dma_wait3A_281 = tpu.memref_slice %arg3[%dma_wait3A_279, %dma_wait3A_280] : memref<320000x128xf32, #tpu.memory_space<hbm>> -> memref<80x128xf32, #tpu.memory_space<hbm>>
      %dma_wait3A_282 = arith.constant 0 : i32
      %dma_wait3A_283 = arith.constant 0 : i32
      %dma_wait3A_284 = tpu.memref_slice %arg3[%dma_wait3A_282, %dma_wait3A_283] : memref<320000x128xf32, #tpu.memory_space<hbm>> -> memref<80x128xf32, #tpu.memory_space<hbm>>
      tpu.wait_dma2 semaphore(%arg19 : memref<!tpu.dma_semaphore, #tpu.memory_space<semaphore_mem>>) src(%dma_wait3A_284 : memref<80x128xf32, #tpu.memory_space<hbm>>) dst(%arg13 : memref<80x128xf32, #tpu.memory_space<vmem>>)
      %dma_wait3A_285 = arith.constant 0 : i32
      %dma_wait3A_286 = arith.constant 0 : i32
      %dma_wait3A_287 = tpu.memref_slice %arg18[%dma_wait3A_285, %dma_wait3A_286] : memref<10000x128xf32, #tpu.memory_space<vmem_shared>> -> memref<10000x128xf32, #tpu.memory_space<vmem_shared>>
      tpu.wait_indirect_dma semaphore(%arg23 : memref<!tpu.dma_semaphore, #tpu.memory_space<semaphore_mem>>) src(%arg15 : memref<80x128xf32, #tpu.memory_space<vmem>>) dst(%dma_wait3A_287 : memref<10000x128xf32, #tpu.memory_space<vmem_shared>>)
      %dma_start3A_288 = arith.constant 0 : i32
      %dma_start3A_289 = arith.constant 0 : i32
      %dma_start3A_290 = tpu.memref_slice %arg2[%dma_start3A_288, %dma_start3A_289] : memref<10000x128xf32, #tpu.memory_space<hbm>> -> memref<10000x128xf32, #tpu.memory_space<hbm>>
      tpu.enqueue_indirect_dma source(%dma_start3A_290 : memref<10000x128xf32, #tpu.memory_space<hbm>>) target(%arg15 : memref<80x128xf32, #tpu.memory_space<vmem>>) offsets(%arg7 : memref<80xi32, #tpu.memory_space<vmem>>) semaphore(%arg21 : memref<!tpu.dma_semaphore, #tpu.memory_space<semaphore_mem>>)
      %dma_wait3A_291 = arith.constant 0 : i32
      %dma_wait3A_292 = tpu.memref_slice %arg4[%dma_wait3A_291] : memref<320000xi32, #tpu.memory_space<hbm>> -> memref<80xi32, #tpu.memory_space<hbm>>
      %dma_wait3A_293 = arith.constant 0 : i32
      %dma_wait3A_294 = tpu.memref_slice %arg4[%dma_wait3A_293] : memref<320000xi32, #tpu.memory_space<hbm>> -> memref<80xi32, #tpu.memory_space<hbm>>
      tpu.wait_dma2 semaphore(%arg20 : memref<!tpu.dma_semaphore, #tpu.memory_space<semaphore_mem>>) src(%dma_wait3A_294 : memref<80xi32, #tpu.memory_space<hbm>>) dst(%arg8 : memref<80xi32, #tpu.memory_space<vmem>>)
      %dma_wait3A_295 = arith.constant 0 : i32
      %dma_wait3A_296 = tpu.memref_slice %arg5[%dma_wait3A_295] : memref<320000xi32, #tpu.memory_space<hbm>> -> memref<80xi32, #tpu.memory_space<hbm>>
      %dma_wait3A_297 = arith.constant 0 : i32
      %dma_wait3A_298 = tpu.memref_slice %arg5[%dma_wait3A_297] : memref<320000xi32, #tpu.memory_space<hbm>> -> memref<80xi32, #tpu.memory_space<hbm>>
      tpu.wait_dma2 semaphore(%arg20 : memref<!tpu.dma_semaphore, #tpu.memory_space<semaphore_mem>>) src(%dma_wait3A_298 : memref<80xi32, #tpu.memory_space<hbm>>) dst(%arg10 : memref<80xi32, #tpu.memory_space<vmem>>)
      %dma_wait3A_299 = arith.constant 0 : i32
      %dma_wait3A_300 = arith.constant 0 : i32
      %dma_wait3A_301 = tpu.memref_slice %arg3[%dma_wait3A_299, %dma_wait3A_300] : memref<320000x128xf32, #tpu.memory_space<hbm>> -> memref<80x128xf32, #tpu.memory_space<hbm>>
      %dma_wait3A_302 = arith.constant 0 : i32
      %dma_wait3A_303 = arith.constant 0 : i32
      %dma_wait3A_304 = tpu.memref_slice %arg3[%dma_wait3A_302, %dma_wait3A_303] : memref<320000x128xf32, #tpu.memory_space<hbm>> -> memref<80x128xf32, #tpu.memory_space<hbm>>
      tpu.wait_dma2 semaphore(%arg20 : memref<!tpu.dma_semaphore, #tpu.memory_space<semaphore_mem>>) src(%dma_wait3A_304 : memref<80x128xf32, #tpu.memory_space<hbm>>) dst(%arg14 : memref<80x128xf32, #tpu.memory_space<vmem>>)
      %dma_wait3A_305 = arith.constant 0 : i32
      %dma_wait3A_306 = arith.constant 0 : i32
      %dma_wait3A_307 = tpu.memref_slice %arg18[%dma_wait3A_305, %dma_wait3A_306] : memref<10000x128xf32, #tpu.memory_space<vmem_shared>> -> memref<10000x128xf32, #tpu.memory_space<vmem_shared>>
      tpu.wait_indirect_dma semaphore(%arg24 : memref<!tpu.dma_semaphore, #tpu.memory_space<semaphore_mem>>) src(%arg16 : memref<80x128xf32, #tpu.memory_space<vmem>>) dst(%dma_wait3A_307 : memref<10000x128xf32, #tpu.memory_space<vmem_shared>>)
      %dma_start3A_308 = arith.constant 0 : i32
      %dma_start3A_309 = arith.constant 0 : i32
      %dma_start3A_310 = tpu.memref_slice %arg2[%dma_start3A_308, %dma_start3A_309] : memref<10000x128xf32, #tpu.memory_space<hbm>> -> memref<10000x128xf32, #tpu.memory_space<hbm>>
      tpu.enqueue_indirect_dma source(%dma_start3A_310 : memref<10000x128xf32, #tpu.memory_space<hbm>>) target(%arg16 : memref<80x128xf32, #tpu.memory_space<vmem>>) offsets(%arg8 : memref<80xi32, #tpu.memory_space<vmem>>) semaphore(%arg22 : memref<!tpu.dma_semaphore, #tpu.memory_space<semaphore_mem>>)
      %dma_wait3A_311 = arith.constant 0 : i32
      %dma_wait3A_312 = arith.constant 0 : i32
      %dma_wait3A_313 = tpu.memref_slice %arg2[%dma_wait3A_311, %dma_wait3A_312] : memref<10000x128xf32, #tpu.memory_space<hbm>> -> memref<10000x128xf32, #tpu.memory_space<hbm>>
      tpu.wait_indirect_dma semaphore(%arg21 : memref<!tpu.dma_semaphore, #tpu.memory_space<semaphore_mem>>) src(%dma_wait3A_313 : memref<10000x128xf32, #tpu.memory_space<hbm>>) dst(%arg15 : memref<80x128xf32, #tpu.memory_space<vmem>>)
      %scan3A_314 = arith.constant 0 : i32
      %scan3A_315 = arith.constant 0 : i32
      %scan3A_316 = arith.constant 80 : i32
      %scan3A_317 = arith.addi %scan3A_315, %scan3A_316 : i32
      %scan3A_318 = arith.constant 1 : i32
      scf.for %scan3A_424 = %scan3A_315 to %scan3A_317 step %scan3A_318  : i32 {
        %get3A_425 = arith.index_cast %scan3A_424 : i32 to index
        %get3A_426 = arith.constant 0 : index
        %get3A_427 = tpu.vector_load %arg15[%get3A_425, %get3A_426] {strides = array<i32>} : memref<80x128xf32, #tpu.memory_space<vmem>>, vector<1x16xf32>,
        %get3A_428 = vector.shape_cast %get3A_427 : vector<1x16xf32> to vector<16xf32>
        %get3A_429 = arith.index_cast %scan3A_424 : i32 to index
        %get3A_430 = arith.constant 0 : index
        %get3A_431 = tpu.vector_load %arg13[%get3A_429, %get3A_430] {strides = array<i32>} : memref<80x128xf32, #tpu.memory_space<vmem>>, vector<1x16xf32>,
        %get3A_432 = vector.shape_cast %get3A_431 : vector<1x16xf32> to vector<16xf32>
        %mul3A_433 = arith.mulf %get3A_428, %get3A_432 : vector<16xf32>
        %swap3A_434 = arith.index_cast %scan3A_424 : i32 to index
        %swap3A_435 = arith.constant 0 : index
        %swap3A_436 = tpu.vector_load %arg15[%swap3A_434, %swap3A_435] {strides = array<i32>} : memref<80x128xf32, #tpu.memory_space<vmem>>, vector<1x16xf32>,
        %swap3A_437 = vector.shape_cast %swap3A_436 : vector<1x16xf32> to vector<16xf32>
        %swap3A_438 = vector.shape_cast %mul3A_433 : vector<16xf32> to vector<1x16xf32>
        tpu.vector_store %arg15[%swap3A_434, %swap3A_435], %swap3A_438 {strides = array<i32>} : memref<80x128xf32, #tpu.memory_space<vmem>>, vector<1x16xf32>,
        %get3A_439 = arith.index_cast %scan3A_424 : i32 to index
        %get3A_440 = arith.constant 16 : index
        %get3A_441 = tpu.vector_load %arg15[%get3A_439, %get3A_440] {strides = array<i32>} : memref<80x128xf32, #tpu.memory_space<vmem>>, vector<1x16xf32>,
        %get3A_442 = vector.shape_cast %get3A_441 : vector<1x16xf32> to vector<16xf32>
        %get3A_443 = arith.index_cast %scan3A_424 : i32 to index
        %get3A_444 = arith.constant 16 : index
        %get3A_445 = tpu.vector_load %arg13[%get3A_443, %get3A_444] {strides = array<i32>} : memref<80x128xf32, #tpu.memory_space<vmem>>, vector<1x16xf32>,
        %get3A_446 = vector.shape_cast %get3A_445 : vector<1x16xf32> to vector<16xf32>
        %mul3A_447 = arith.mulf %get3A_442, %get3A_446 : vector<16xf32>
        %swap3A_448 = arith.index_cast %scan3A_424 : i32 to index
        %swap3A_449 = arith.constant 16 : index
        %swap3A_450 = tpu.vector_load %arg15[%swap3A_448, %swap3A_449] {strides = array<i32>} : memref<80x128xf32, #tpu.memory_space<vmem>>, vector<1x16xf32>,
        %swap3A_451 = vector.shape_cast %swap3A_450 : vector<1x16xf32> to vector<16xf32>
        %swap3A_452 = vector.shape_cast %mul3A_447 : vector<16xf32> to vector<1x16xf32>
        tpu.vector_store %arg15[%swap3A_448, %swap3A_449], %swap3A_452 {strides = array<i32>} : memref<80x128xf32, #tpu.memory_space<vmem>>, vector<1x16xf32>,
        %get3A_453 = arith.index_cast %scan3A_424 : i32 to index
        %get3A_454 = arith.constant 32 : index
        %get3A_455 = tpu.vector_load %arg15[%get3A_453, %get3A_454] {strides = array<i32>} : memref<80x128xf32, #tpu.memory_space<vmem>>, vector<1x16xf32>,
        %get3A_456 = vector.shape_cast %get3A_455 : vector<1x16xf32> to vector<16xf32>
        %get3A_457 = arith.index_cast %scan3A_424 : i32 to index
        %get3A_458 = arith.constant 32 : index
        %get3A_459 = tpu.vector_load %arg13[%get3A_457, %get3A_458] {strides = array<i32>} : memref<80x128xf32, #tpu.memory_space<vmem>>, vector<1x16xf32>,
        %get3A_460 = vector.shape_cast %get3A_459 : vector<1x16xf32> to vector<16xf32>
        %mul3A_461 = arith.mulf %get3A_456, %get3A_460 : vector<16xf32>
        %swap3A_462 = arith.index_cast %scan3A_424 : i32 to index
        %swap3A_463 = arith.constant 32 : index
        %swap3A_464 = tpu.vector_load %arg15[%swap3A_462, %swap3A_463] {strides = array<i32>} : memref<80x128xf32, #tpu.memory_space<vmem>>, vector<1x16xf32>,
        %swap3A_465 = vector.shape_cast %swap3A_464 : vector<1x16xf32> to vector<16xf32>
        %swap3A_466 = vector.shape_cast %mul3A_461 : vector<16xf32> to vector<1x16xf32>
        tpu.vector_store %arg15[%swap3A_462, %swap3A_463], %swap3A_466 {strides = array<i32>} : memref<80x128xf32, #tpu.memory_space<vmem>>, vector<1x16xf32>,
        %get3A_467 = arith.index_cast %scan3A_424 : i32 to index
        %get3A_468 = arith.constant 48 : index
        %get3A_469 = tpu.vector_load %arg15[%get3A_467, %get3A_468] {strides = array<i32>} : memref<80x128xf32, #tpu.memory_space<vmem>>, vector<1x16xf32>,
        %get3A_470 = vector.shape_cast %get3A_469 : vector<1x16xf32> to vector<16xf32>
        %get3A_471 = arith.index_cast %scan3A_424 : i32 to index
        %get3A_472 = arith.constant 48 : index
        %get3A_473 = tpu.vector_load %arg13[%get3A_471, %get3A_472] {strides = array<i32>} : memref<80x128xf32, #tpu.memory_space<vmem>>, vector<1x16xf32>,
        %get3A_474 = vector.shape_cast %get3A_473 : vector<1x16xf32> to vector<16xf32>
        %mul3A_475 = arith.mulf %get3A_470, %get3A_474 : vector<16xf32>
        %swap3A_476 = arith.index_cast %scan3A_424 : i32 to index
        %swap3A_477 = arith.constant 48 : index
        %swap3A_478 = tpu.vector_load %arg15[%swap3A_476, %swap3A_477] {strides = array<i32>} : memref<80x128xf32, #tpu.memory_space<vmem>>, vector<1x16xf32>,
        %swap3A_479 = vector.shape_cast %swap3A_478 : vector<1x16xf32> to vector<16xf32>
        %swap3A_480 = vector.shape_cast %mul3A_475 : vector<16xf32> to vector<1x16xf32>
        tpu.vector_store %arg15[%swap3A_476, %swap3A_477], %swap3A_480 {strides = array<i32>} : memref<80x128xf32, #tpu.memory_space<vmem>>, vector<1x16xf32>,
        %get3A_481 = arith.index_cast %scan3A_424 : i32 to index
        %get3A_482 = arith.constant 64 : index
        %get3A_483 = tpu.vector_load %arg15[%get3A_481, %get3A_482] {strides = array<i32>} : memref<80x128xf32, #tpu.memory_space<vmem>>, vector<1x16xf32>,
        %get3A_484 = vector.shape_cast %get3A_483 : vector<1x16xf32> to vector<16xf32>
        %get3A_485 = arith.index_cast %scan3A_424 : i32 to index
        %get3A_486 = arith.constant 64 : index
        %get3A_487 = tpu.vector_load %arg13[%get3A_485, %get3A_486] {strides = array<i32>} : memref<80x128xf32, #tpu.memory_space<vmem>>, vector<1x16xf32>,
        %get3A_488 = vector.shape_cast %get3A_487 : vector<1x16xf32> to vector<16xf32>
        %mul3A_489 = arith.mulf %get3A_484, %get3A_488 : vector<16xf32>
        %swap3A_490 = arith.index_cast %scan3A_424 : i32 to index
        %swap3A_491 = arith.constant 64 : index
        %swap3A_492 = tpu.vector_load %arg15[%swap3A_490, %swap3A_491] {strides = array<i32>} : memref<80x128xf32, #tpu.memory_space<vmem>>, vector<1x16xf32>,
        %swap3A_493 = vector.shape_cast %swap3A_492 : vector<1x16xf32> to vector<16xf32>
        %swap3A_494 = vector.shape_cast %mul3A_489 : vector<16xf32> to vector<1x16xf32>
        tpu.vector_store %arg15[%swap3A_490, %swap3A_491], %swap3A_494 {strides = array<i32>} : memref<80x128xf32, #tpu.memory_space<vmem>>, vector<1x16xf32>,
        %get3A_495 = arith.index_cast %scan3A_424 : i32 to index
        %get3A_496 = arith.constant 80 : index
        %get3A_497 = tpu.vector_load %arg15[%get3A_495, %get3A_496] {strides = array<i32>} : memref<80x128xf32, #tpu.memory_space<vmem>>, vector<1x16xf32>,
        %get3A_498 = vector.shape_cast %get3A_497 : vector<1x16xf32> to vector<16xf32>
        %get3A_499 = arith.index_cast %scan3A_424 : i32 to index
        %get3A_500 = arith.constant 80 : index
        %get3A_501 = tpu.vector_load %arg13[%get3A_499, %get3A_500] {strides = array<i32>} : memref<80x128xf32, #tpu.memory_space<vmem>>, vector<1x16xf32>,
        %get3A_502 = vector.shape_cast %get3A_501 : vector<1x16xf32> to vector<16xf32>
        %mul3A_503 = arith.mulf %get3A_498, %get3A_502 : vector<16xf32>
        %swap3A_504 = arith.index_cast %scan3A_424 : i32 to index
        %swap3A_505 = arith.constant 80 : index
        %swap3A_506 = tpu.vector_load %arg15[%swap3A_504, %swap3A_505] {strides = array<i32>} : memref<80x128xf32, #tpu.memory_space<vmem>>, vector<1x16xf32>,
        %swap3A_507 = vector.shape_cast %swap3A_506 : vector<1x16xf32> to vector<16xf32>
        %swap3A_508 = vector.shape_cast %mul3A_503 : vector<16xf32> to vector<1x16xf32>
        tpu.vector_store %arg15[%swap3A_504, %swap3A_505], %swap3A_508 {strides = array<i32>} : memref<80x128xf32, #tpu.memory_space<vmem>>, vector<1x16xf32>,
        %get3A_509 = arith.index_cast %scan3A_424 : i32 to index
        %get3A_510 = arith.constant 96 : index
        %get3A_511 = tpu.vector_load %arg15[%get3A_509, %get3A_510] {strides = array<i32>} : memref<80x128xf32, #tpu.memory_space<vmem>>, vector<1x16xf32>,
        %get3A_512 = vector.shape_cast %get3A_511 : vector<1x16xf32> to vector<16xf32>
        %get3A_513 = arith.index_cast %scan3A_424 : i32 to index
        %get3A_514 = arith.constant 96 : index
        %get3A_515 = tpu.vector_load %arg13[%get3A_513, %get3A_514] {strides = array<i32>} : memref<80x128xf32, #tpu.memory_space<vmem>>, vector<1x16xf32>,
        %get3A_516 = vector.shape_cast %get3A_515 : vector<1x16xf32> to vector<16xf32>
        %mul3A_517 = arith.mulf %get3A_512, %get3A_516 : vector<16xf32>
        %swap3A_518 = arith.index_cast %scan3A_424 : i32 to index
        %swap3A_519 = arith.constant 96 : index
        %swap3A_520 = tpu.vector_load %arg15[%swap3A_518, %swap3A_519] {strides = array<i32>} : memref<80x128xf32, #tpu.memory_space<vmem>>, vector<1x16xf32>,
        %swap3A_521 = vector.shape_cast %swap3A_520 : vector<1x16xf32> to vector<16xf32>
        %swap3A_522 = vector.shape_cast %mul3A_517 : vector<16xf32> to vector<1x16xf32>
        tpu.vector_store %arg15[%swap3A_518, %swap3A_519], %swap3A_522 {strides = array<i32>} : memref<80x128xf32, #tpu.memory_space<vmem>>, vector<1x16xf32>,
        %get3A_523 = arith.index_cast %scan3A_424 : i32 to index
        %get3A_524 = arith.constant 112 : index
        %get3A_525 = tpu.vector_load %arg15[%get3A_523, %get3A_524] {strides = array<i32>} : memref<80x128xf32, #tpu.memory_space<vmem>>, vector<1x16xf32>,
        %get3A_526 = vector.shape_cast %get3A_525 : vector<1x16xf32> to vector<16xf32>
        %get3A_527 = arith.index_cast %scan3A_424 : i32 to index
        %get3A_528 = arith.constant 112 : index
        %get3A_529 = tpu.vector_load %arg13[%get3A_527, %get3A_528] {strides = array<i32>} : memref<80x128xf32, #tpu.memory_space<vmem>>, vector<1x16xf32>,
        %get3A_530 = vector.shape_cast %get3A_529 : vector<1x16xf32> to vector<16xf32>
        %mul3A_531 = arith.mulf %get3A_526, %get3A_530 : vector<16xf32>
        %swap3A_532 = arith.index_cast %scan3A_424 : i32 to index
        %swap3A_533 = arith.constant 112 : index
        %swap3A_534 = tpu.vector_load %arg15[%swap3A_532, %swap3A_533] {strides = array<i32>} : memref<80x128xf32, #tpu.memory_space<vmem>>, vector<1x16xf32>,
        %swap3A_535 = vector.shape_cast %swap3A_534 : vector<1x16xf32> to vector<16xf32>
        %swap3A_536 = vector.shape_cast %mul3A_531 : vector<16xf32> to vector<1x16xf32>
        tpu.vector_store %arg15[%swap3A_532, %swap3A_533], %swap3A_536 {strides = array<i32>} : memref<80x128xf32, #tpu.memory_space<vmem>>, vector<1x16xf32>,
      }
      %scan3A_319 = arith.constant 80 : i32
      %get3A_320 = arith.constant 0 : index
      %get3A_321 = tpu.vector_load %arg9[%get3A_320] {strides = array<i32>} : memref<80xi32, #tpu.memory_space<vmem>>, vector<16xi32>,
      %get3A_322 = vector.shape_cast %get3A_321 : vector<16xi32> to vector<16xi32>
      %swap3A_323 = arith.constant 0 : index
      %swap3A_324 = tpu.vector_load %arg11[%swap3A_323] {strides = array<i32>} : memref<80xi32, #tpu.memory_space<vmem>>, vector<16xi32>,
      %swap3A_325 = vector.shape_cast %swap3A_324 : vector<16xi32> to vector<16xi32>
      %swap3A_326 = vector.shape_cast %get3A_322 : vector<16xi32> to vector<16xi32>
      tpu.vector_store %arg11[%swap3A_323], %swap3A_326 {strides = array<i32>} : memref<80xi32, #tpu.memory_space<vmem>>, vector<16xi32>,
      %get3A_327 = arith.constant 16 : index
      %get3A_328 = tpu.vector_load %arg9[%get3A_327] {strides = array<i32>} : memref<80xi32, #tpu.memory_space<vmem>>, vector<16xi32>,
      %get3A_329 = vector.shape_cast %get3A_328 : vector<16xi32> to vector<16xi32>
      %swap3A_330 = arith.constant 16 : index
      %swap3A_331 = tpu.vector_load %arg11[%swap3A_330] {strides = array<i32>} : memref<80xi32, #tpu.memory_space<vmem>>, vector<16xi32>,
      %swap3A_332 = vector.shape_cast %swap3A_331 : vector<16xi32> to vector<16xi32>
      %swap3A_333 = vector.shape_cast %get3A_329 : vector<16xi32> to vector<16xi32>
      tpu.vector_store %arg11[%swap3A_330], %swap3A_333 {strides = array<i32>} : memref<80xi32, #tpu.memory_space<vmem>>, vector<16xi32>,
      %get3A_334 = arith.constant 32 : index
      %get3A_335 = tpu.vector_load %arg9[%get3A_334] {strides = array<i32>} : memref<80xi32, #tpu.memory_space<vmem>>, vector<16xi32>,
      %get3A_336 = vector.shape_cast %get3A_335 : vector<16xi32> to vector<16xi32>
      %swap3A_337 = arith.constant 32 : index
      %swap3A_338 = tpu.vector_load %arg11[%swap3A_337] {strides = array<i32>} : memref<80xi32, #tpu.memory_space<vmem>>, vector<16xi32>,
      %swap3A_339 = vector.shape_cast %swap3A_338 : vector<16xi32> to vector<16xi32>
      %swap3A_340 = vector.shape_cast %get3A_336 : vector<16xi32> to vector<16xi32>
      tpu.vector_store %arg11[%swap3A_337], %swap3A_340 {strides = array<i32>} : memref<80xi32, #tpu.memory_space<vmem>>, vector<16xi32>,
      %get3A_341 = arith.constant 48 : index
      %get3A_342 = tpu.vector_load %arg9[%get3A_341] {strides = array<i32>} : memref<80xi32, #tpu.memory_space<vmem>>, vector<16xi32>,
      %get3A_343 = vector.shape_cast %get3A_342 : vector<16xi32> to vector<16xi32>
      %swap3A_344 = arith.constant 48 : index
      %swap3A_345 = tpu.vector_load %arg11[%swap3A_344] {strides = array<i32>} : memref<80xi32, #tpu.memory_space<vmem>>, vector<16xi32>,
      %swap3A_346 = vector.shape_cast %swap3A_345 : vector<16xi32> to vector<16xi32>
      %swap3A_347 = vector.shape_cast %get3A_343 : vector<16xi32> to vector<16xi32>
      tpu.vector_store %arg11[%swap3A_344], %swap3A_347 {strides = array<i32>} : memref<80xi32, #tpu.memory_space<vmem>>, vector<16xi32>,
      %get3A_348 = arith.constant 64 : index
      %get3A_349 = tpu.vector_load %arg9[%get3A_348] {strides = array<i32>} : memref<80xi32, #tpu.memory_space<vmem>>, vector<16xi32>,
      %get3A_350 = vector.shape_cast %get3A_349 : vector<16xi32> to vector<16xi32>
      %swap3A_351 = arith.constant 64 : index
      %swap3A_352 = tpu.vector_load %arg11[%swap3A_351] {strides = array<i32>} : memref<80xi32, #tpu.memory_space<vmem>>, vector<16xi32>,
      %swap3A_353 = vector.shape_cast %swap3A_352 : vector<16xi32> to vector<16xi32>
      %swap3A_354 = vector.shape_cast %get3A_350 : vector<16xi32> to vector<16xi32>
      tpu.vector_store %arg11[%swap3A_351], %swap3A_354 {strides = array<i32>} : memref<80xi32, #tpu.memory_space<vmem>>, vector<16xi32>,
      %dma_start3A_355 = arith.constant 0 : i32
      %dma_start3A_356 = arith.constant 0 : i32
      %dma_start3A_357 = tpu.memref_slice %arg18[%dma_start3A_355, %dma_start3A_356] : memref<10000x128xf32, #tpu.memory_space<vmem_shared>> -> memref<10000x128xf32, #tpu.memory_space<vmem_shared>>
      tpu.enqueue_indirect_dma source(%arg15 : memref<80x128xf32, #tpu.memory_space<vmem>>) target(%dma_start3A_357 : memref<10000x128xf32, #tpu.memory_space<vmem_shared>>) offsets(%arg11 : memref<80xi32, #tpu.memory_space<vmem>>) semaphore(%arg23 : memref<!tpu.dma_semaphore, #tpu.memory_space<semaphore_mem>>) {add = true}
      %add3A_358 = arith.constant 2 : i32
      %add3A_359 = arith.addi %mul3A_270, %add3A_358 : i32
      %mul3A_360 = arith.constant 80 : i32
      %mul3A_361 = arith.muli %add3A_359, %mul3A_360 : i32
      %add3A_362 = arith.addi %add3A, %mul3A_361 : i32
      %dma_start3A_363 = tpu.memref_slice %arg4[%add3A_362] : memref<320000xi32, #tpu.memory_space<hbm>> -> memref<80xi32, #tpu.memory_space<hbm>>
      %dma_start3A_364 = tpu.memref_slice %arg4[%add3A_362] : memref<320000xi32, #tpu.memory_space<hbm>> -> memref<80xi32, #tpu.memory_space<hbm>>
      tpu.enqueue_dma source(%dma_start3A_364 : memref<80xi32, #tpu.memory_space<hbm>>) target(%arg7 : memref<80xi32, #tpu.memory_space<vmem>>) target_semaphore(%arg19 : memref<!tpu.dma_semaphore, #tpu.memory_space<semaphore_mem>>)
      %dma_start3A_365 = tpu.memref_slice %arg5[%add3A_362] : memref<320000xi32, #tpu.memory_space<hbm>> -> memref<80xi32, #tpu.memory_space<hbm>>
      %dma_start3A_366 = tpu.memref_slice %arg5[%add3A_362] : memref<320000xi32, #tpu.memory_space<hbm>> -> memref<80xi32, #tpu.memory_space<hbm>>
      tpu.enqueue_dma source(%dma_start3A_366 : memref<80xi32, #tpu.memory_space<hbm>>) target(%arg9 : memref<80xi32, #tpu.memory_space<vmem>>) target_semaphore(%arg19 : memref<!tpu.dma_semaphore, #tpu.memory_space<semaphore_mem>>)
      %dma_start3A_367 = arith.constant 0 : i32
      %dma_start3A_368 = tpu.memref_slice %arg3[%add3A_362, %dma_start3A_367] : memref<320000x128xf32, #tpu.memory_space<hbm>> -> memref<80x128xf32, #tpu.memory_space<hbm>>
      %dma_start3A_369 = arith.constant 0 : i32
      %dma_start3A_370 = tpu.memref_slice %arg3[%add3A_362, %dma_start3A_369] : memref<320000x128xf32, #tpu.memory_space<hbm>> -> memref<80x128xf32, #tpu.memory_space<hbm>>
      tpu.enqueue_dma source(%dma_start3A_370 : memref<80x128xf32, #tpu.memory_space<hbm>>) target(%arg13 : memref<80x128xf32, #tpu.memory_space<vmem>>) target_semaphore(%arg19 : memref<!tpu.dma_semaphore, #tpu.memory_space<semaphore_mem>>)
      %dma_wait3A_371 = arith.constant 0 : i32
      %dma_wait3A_372 = arith.constant 0 : i32
      %dma_wait3A_373 = tpu.memref_slice %arg2[%dma_wait3A_371, %dma_wait3A_372] : memref<10000x128xf32, #tpu.memory_space<hbm>> -> memref<10000x128xf32, #tpu.memory_space<hbm>>
      tpu.wait_indirect_dma semaphore(%arg22 : memref<!tpu.dma_semaphore, #tpu.memory_space<semaphore_mem>>) src(%dma_wait3A_373 : memref<10000x128xf32, #tpu.memory_space<hbm>>) dst(%arg16 : memref<80x128xf32, #tpu.memory_space<vmem>>)
      %scan3A_374 = arith.constant 0 : i32
      %scan3A_375 = arith.constant 0 : i32
      %scan3A_376 = arith.constant 80 : i32
      %scan3A_377 = arith.addi %scan3A_375, %scan3A_376 : i32
      %scan3A_378 = arith.constant 1 : i32
      scf.for %scan3A_424 = %scan3A_375 to %scan3A_377 step %scan3A_378  : i32 {
        %get3A_425 = arith.index_cast %scan3A_424 : i32 to index
        %get3A_426 = arith.constant 0 : index
        %get3A_427 = tpu.vector_load %arg16[%get3A_425, %get3A_426] {strides = array<i32>} : memref<80x128xf32, #tpu.memory_space<vmem>>, vector<1x16xf32>,
        %get3A_428 = vector.shape_cast %get3A_427 : vector<1x16xf32> to vector<16xf32>
        %get3A_429 = arith.index_cast %scan3A_424 : i32 to index
        %get3A_430 = arith.constant 0 : index
        %get3A_431 = tpu.vector_load %arg14[%get3A_429, %get3A_430] {strides = array<i32>} : memref<80x128xf32, #tpu.memory_space<vmem>>, vector<1x16xf32>,
        %get3A_432 = vector.shape_cast %get3A_431 : vector<1x16xf32> to vector<16xf32>
        %mul3A_433 = arith.mulf %get3A_428, %get3A_432 : vector<16xf32>
        %swap3A_434 = arith.index_cast %scan3A_424 : i32 to index
        %swap3A_435 = arith.constant 0 : index
        %swap3A_436 = tpu.vector_load %arg16[%swap3A_434, %swap3A_435] {strides = array<i32>} : memref<80x128xf32, #tpu.memory_space<vmem>>, vector<1x16xf32>,
        %swap3A_437 = vector.shape_cast %swap3A_436 : vector<1x16xf32> to vector<16xf32>
        %swap3A_438 = vector.shape_cast %mul3A_433 : vector<16xf32> to vector<1x16xf32>
        tpu.vector_store %arg16[%swap3A_434, %swap3A_435], %swap3A_438 {strides = array<i32>} : memref<80x128xf32, #tpu.memory_space<vmem>>, vector<1x16xf32>,
        %get3A_439 = arith.index_cast %scan3A_424 : i32 to index
        %get3A_440 = arith.constant 16 : index
        %get3A_441 = tpu.vector_load %arg16[%get3A_439, %get3A_440] {strides = array<i32>} : memref<80x128xf32, #tpu.memory_space<vmem>>, vector<1x16xf32>,
        %get3A_442 = vector.shape_cast %get3A_441 : vector<1x16xf32> to vector<16xf32>
        %get3A_443 = arith.index_cast %scan3A_424 : i32 to index
        %get3A_444 = arith.constant 16 : index
        %get3A_445 = tpu.vector_load %arg14[%get3A_443, %get3A_444] {strides = array<i32>} : memref<80x128xf32, #tpu.memory_space<vmem>>, vector<1x16xf32>,
        %get3A_446 = vector.shape_cast %get3A_445 : vector<1x16xf32> to vector<16xf32>
        %mul3A_447 = arith.mulf %get3A_442, %get3A_446 : vector<16xf32>
        %swap3A_448 = arith.index_cast %scan3A_424 : i32 to index
        %swap3A_449 = arith.constant 16 : index
        %swap3A_450 = tpu.vector_load %arg16[%swap3A_448, %swap3A_449] {strides = array<i32>} : memref<80x128xf32, #tpu.memory_space<vmem>>, vector<1x16xf32>,
        %swap3A_451 = vector.shape_cast %swap3A_450 : vector<1x16xf32> to vector<16xf32>
        %swap3A_452 = vector.shape_cast %mul3A_447 : vector<16xf32> to vector<1x16xf32>
        tpu.vector_store %arg16[%swap3A_448, %swap3A_449], %swap3A_452 {strides = array<i32>} : memref<80x128xf32, #tpu.memory_space<vmem>>, vector<1x16xf32>,
        %get3A_453 = arith.index_cast %scan3A_424 : i32 to index
        %get3A_454 = arith.constant 32 : index
        %get3A_455 = tpu.vector_load %arg16[%get3A_453, %get3A_454] {strides = array<i32>} : memref<80x128xf32, #tpu.memory_space<vmem>>, vector<1x16xf32>,
        %get3A_456 = vector.shape_cast %get3A_455 : vector<1x16xf32> to vector<16xf32>
        %get3A_457 = arith.index_cast %scan3A_424 : i32 to index
        %get3A_458 = arith.constant 32 : index
        %get3A_459 = tpu.vector_load %arg14[%get3A_457, %get3A_458] {strides = array<i32>} : memref<80x128xf32, #tpu.memory_space<vmem>>, vector<1x16xf32>,
        %get3A_460 = vector.shape_cast %get3A_459 : vector<1x16xf32> to vector<16xf32>
        %mul3A_461 = arith.mulf %get3A_456, %get3A_460 : vector<16xf32>
        %swap3A_462 = arith.index_cast %scan3A_424 : i32 to index
        %swap3A_463 = arith.constant 32 : index
        %swap3A_464 = tpu.vector_load %arg16[%swap3A_462, %swap3A_463] {strides = array<i32>} : memref<80x128xf32, #tpu.memory_space<vmem>>, vector<1x16xf32>,
        %swap3A_465 = vector.shape_cast %swap3A_464 : vector<1x16xf32> to vector<16xf32>
        %swap3A_466 = vector.shape_cast %mul3A_461 : vector<16xf32> to vector<1x16xf32>
        tpu.vector_store %arg16[%swap3A_462, %swap3A_463], %swap3A_466 {strides = array<i32>} : memref<80x128xf32, #tpu.memory_space<vmem>>, vector<1x16xf32>,
        %get3A_467 = arith.index_cast %scan3A_424 : i32 to index
        %get3A_468 = arith.constant 48 : index
        %get3A_469 = tpu.vector_load %arg16[%get3A_467, %get3A_468] {strides = array<i32>} : memref<80x128xf32, #tpu.memory_space<vmem>>, vector<1x16xf32>,
        %get3A_470 = vector.shape_cast %get3A_469 : vector<1x16xf32> to vector<16xf32>
        %get3A_471 = arith.index_cast %scan3A_424 : i32 to index
        %get3A_472 = arith.constant 48 : index
        %get3A_473 = tpu.vector_load %arg14[%get3A_471, %get3A_472] {strides = array<i32>} : memref<80x128xf32, #tpu.memory_space<vmem>>, vector<1x16xf32>,
        %get3A_474 = vector.shape_cast %get3A_473 : vector<1x16xf32> to vector<16xf32>
        %mul3A_475 = arith.mulf %get3A_470, %get3A_474 : vector<16xf32>
        %swap3A_476 = arith.index_cast %scan3A_424 : i32 to index
        %swap3A_477 = arith.constant 48 : index
        %swap3A_478 = tpu.vector_load %arg16[%swap3A_476, %swap3A_477] {strides = array<i32>} : memref<80x128xf32, #tpu.memory_space<vmem>>, vector<1x16xf32>,
        %swap3A_479 = vector.shape_cast %swap3A_478 : vector<1x16xf32> to vector<16xf32>
        %swap3A_480 = vector.shape_cast %mul3A_475 : vector<16xf32> to vector<1x16xf32>
        tpu.vector_store %arg16[%swap3A_476, %swap3A_477], %swap3A_480 {strides = array<i32>} : memref<80x128xf32, #tpu.memory_space<vmem>>, vector<1x16xf32>,
        %get3A_481 = arith.index_cast %scan3A_424 : i32 to index
        %get3A_482 = arith.constant 64 : index
        %get3A_483 = tpu.vector_load %arg16[%get3A_481, %get3A_482] {strides = array<i32>} : memref<80x128xf32, #tpu.memory_space<vmem>>, vector<1x16xf32>,
        %get3A_484 = vector.shape_cast %get3A_483 : vector<1x16xf32> to vector<16xf32>
        %get3A_485 = arith.index_cast %scan3A_424 : i32 to index
        %get3A_486 = arith.constant 64 : index
        %get3A_487 = tpu.vector_load %arg14[%get3A_485, %get3A_486] {strides = array<i32>} : memref<80x128xf32, #tpu.memory_space<vmem>>, vector<1x16xf32>,
        %get3A_488 = vector.shape_cast %get3A_487 : vector<1x16xf32> to vector<16xf32>
        %mul3A_489 = arith.mulf %get3A_484, %get3A_488 : vector<16xf32>
        %swap3A_490 = arith.index_cast %scan3A_424 : i32 to index
        %swap3A_491 = arith.constant 64 : index
        %swap3A_492 = tpu.vector_load %arg16[%swap3A_490, %swap3A_491] {strides = array<i32>} : memref<80x128xf32, #tpu.memory_space<vmem>>, vector<1x16xf32>,
        %swap3A_493 = vector.shape_cast %swap3A_492 : vector<1x16xf32> to vector<16xf32>
        %swap3A_494 = vector.shape_cast %mul3A_489 : vector<16xf32> to vector<1x16xf32>
        tpu.vector_store %arg16[%swap3A_490, %swap3A_491], %swap3A_494 {strides = array<i32>} : memref<80x128xf32, #tpu.memory_space<vmem>>, vector<1x16xf32>,
        %get3A_495 = arith.index_cast %scan3A_424 : i32 to index
        %get3A_496 = arith.constant 80 : index
        %get3A_497 = tpu.vector_load %arg16[%get3A_495, %get3A_496] {strides = array<i32>} : memref<80x128xf32, #tpu.memory_space<vmem>>, vector<1x16xf32>,
        %get3A_498 = vector.shape_cast %get3A_497 : vector<1x16xf32> to vector<16xf32>
        %get3A_499 = arith.index_cast %scan3A_424 : i32 to index
        %get3A_500 = arith.constant 80 : index
        %get3A_501 = tpu.vector_load %arg14[%get3A_499, %get3A_500] {strides = array<i32>} : memref<80x128xf32, #tpu.memory_space<vmem>>, vector<1x16xf32>,
        %get3A_502 = vector.shape_cast %get3A_501 : vector<1x16xf32> to vector<16xf32>
        %mul3A_503 = arith.mulf %get3A_498, %get3A_502 : vector<16xf32>
        %swap3A_504 = arith.index_cast %scan3A_424 : i32 to index
        %swap3A_505 = arith.constant 80 : index
        %swap3A_506 = tpu.vector_load %arg16[%swap3A_504, %swap3A_505] {strides = array<i32>} : memref<80x128xf32, #tpu.memory_space<vmem>>, vector<1x16xf32>,
        %swap3A_507 = vector.shape_cast %swap3A_506 : vector<1x16xf32> to vector<16xf32>
        %swap3A_508 = vector.shape_cast %mul3A_503 : vector<16xf32> to vector<1x16xf32>
        tpu.vector_store %arg16[%swap3A_504, %swap3A_505], %swap3A_508 {strides = array<i32>} : memref<80x128xf32, #tpu.memory_space<vmem>>, vector<1x16xf32>,
        %get3A_509 = arith.index_cast %scan3A_424 : i32 to index
        %get3A_510 = arith.constant 96 : index
        %get3A_511 = tpu.vector_load %arg16[%get3A_509, %get3A_510] {strides = array<i32>} : memref<80x128xf32, #tpu.memory_space<vmem>>, vector<1x16xf32>,
        %get3A_512 = vector.shape_cast %get3A_511 : vector<1x16xf32> to vector<16xf32>
        %get3A_513 = arith.index_cast %scan3A_424 : i32 to index
        %get3A_514 = arith.constant 96 : index
        %get3A_515 = tpu.vector_load %arg14[%get3A_513, %get3A_514] {strides = array<i32>} : memref<80x128xf32, #tpu.memory_space<vmem>>, vector<1x16xf32>,
        %get3A_516 = vector.shape_cast %get3A_515 : vector<1x16xf32> to vector<16xf32>
        %mul3A_517 = arith.mulf %get3A_512, %get3A_516 : vector<16xf32>
        %swap3A_518 = arith.index_cast %scan3A_424 : i32 to index
        %swap3A_519 = arith.constant 96 : index
        %swap3A_520 = tpu.vector_load %arg16[%swap3A_518, %swap3A_519] {strides = array<i32>} : memref<80x128xf32, #tpu.memory_space<vmem>>, vector<1x16xf32>,
        %swap3A_521 = vector.shape_cast %swap3A_520 : vector<1x16xf32> to vector<16xf32>
        %swap3A_522 = vector.shape_cast %mul3A_517 : vector<16xf32> to vector<1x16xf32>
        tpu.vector_store %arg16[%swap3A_518, %swap3A_519], %swap3A_522 {strides = array<i32>} : memref<80x128xf32, #tpu.memory_space<vmem>>, vector<1x16xf32>,
        %get3A_523 = arith.index_cast %scan3A_424 : i32 to index
        %get3A_524 = arith.constant 112 : index
        %get3A_525 = tpu.vector_load %arg16[%get3A_523, %get3A_524] {strides = array<i32>} : memref<80x128xf32, #tpu.memory_space<vmem>>, vector<1x16xf32>,
        %get3A_526 = vector.shape_cast %get3A_525 : vector<1x16xf32> to vector<16xf32>
        %get3A_527 = arith.index_cast %scan3A_424 : i32 to index
        %get3A_528 = arith.constant 112 : index
        %get3A_529 = tpu.vector_load %arg14[%get3A_527, %get3A_528] {strides = array<i32>} : memref<80x128xf32, #tpu.memory_space<vmem>>, vector<1x16xf32>,
        %get3A_530 = vector.shape_cast %get3A_529 : vector<1x16xf32> to vector<16xf32>
        %mul3A_531 = arith.mulf %get3A_526, %get3A_530 : vector<16xf32>
        %swap3A_532 = arith.index_cast %scan3A_424 : i32 to index
        %swap3A_533 = arith.constant 112 : index
        %swap3A_534 = tpu.vector_load %arg16[%swap3A_532, %swap3A_533] {strides = array<i32>} : memref<80x128xf32, #tpu.memory_space<vmem>>, vector<1x16xf32>,
        %swap3A_535 = vector.shape_cast %swap3A_534 : vector<1x16xf32> to vector<16xf32>
        %swap3A_536 = vector.shape_cast %mul3A_531 : vector<16xf32> to vector<1x16xf32>
        tpu.vector_store %arg16[%swap3A_532, %swap3A_533], %swap3A_536 {strides = array<i32>} : memref<80x128xf32, #tpu.memory_space<vmem>>, vector<1x16xf32>,
      }
      %scan3A_379 = arith.constant 80 : i32
      %get3A_380 = arith.constant 0 : index
      %get3A_381 = tpu.vector_load %arg10[%get3A_380] {strides = array<i32>} : memref<80xi32, #tpu.memory_space<vmem>>, vector<16xi32>,
      %get3A_382 = vector.shape_cast %get3A_381 : vector<16xi32> to vector<16xi32>
      %swap3A_383 = arith.constant 0 : index
      %swap3A_384 = tpu.vector_load %arg12[%swap3A_383] {strides = array<i32>} : memref<80xi32, #tpu.memory_space<vmem>>, vector<16xi32>,
      %swap3A_385 = vector.shape_cast %swap3A_384 : vector<16xi32> to vector<16xi32>
      %swap3A_386 = vector.shape_cast %get3A_382 : vector<16xi32> to vector<16xi32>
      tpu.vector_store %arg12[%swap3A_383], %swap3A_386 {strides = array<i32>} : memref<80xi32, #tpu.memory_space<vmem>>, vector<16xi32>,
      %get3A_387 = arith.constant 16 : index
      %get3A_388 = tpu.vector_load %arg10[%get3A_387] {strides = array<i32>} : memref<80xi32, #tpu.memory_space<vmem>>, vector<16xi32>,
      %get3A_389 = vector.shape_cast %get3A_388 : vector<16xi32> to vector<16xi32>
      %swap3A_390 = arith.constant 16 : index
      %swap3A_391 = tpu.vector_load %arg12[%swap3A_390] {strides = array<i32>} : memref<80xi32, #tpu.memory_space<vmem>>, vector<16xi32>,
      %swap3A_392 = vector.shape_cast %swap3A_391 : vector<16xi32> to vector<16xi32>
      %swap3A_393 = vector.shape_cast %get3A_389 : vector<16xi32> to vector<16xi32>
      tpu.vector_store %arg12[%swap3A_390], %swap3A_393 {strides = array<i32>} : memref<80xi32, #tpu.memory_space<vmem>>, vector<16xi32>,
      %get3A_394 = arith.constant 32 : index
      %get3A_395 = tpu.vector_load %arg10[%get3A_394] {strides = array<i32>} : memref<80xi32, #tpu.memory_space<vmem>>, vector<16xi32>,
      %get3A_396 = vector.shape_cast %get3A_395 : vector<16xi32> to vector<16xi32>
      %swap3A_397 = arith.constant 32 : index
      %swap3A_398 = tpu.vector_load %arg12[%swap3A_397] {strides = array<i32>} : memref<80xi32, #tpu.memory_space<vmem>>, vector<16xi32>,
      %swap3A_399 = vector.shape_cast %swap3A_398 : vector<16xi32> to vector<16xi32>
      %swap3A_400 = vector.shape_cast %get3A_396 : vector<16xi32> to vector<16xi32>
      tpu.vector_store %arg12[%swap3A_397], %swap3A_400 {strides = array<i32>} : memref<80xi32, #tpu.memory_space<vmem>>, vector<16xi32>,
      %get3A_401 = arith.constant 48 : index
      %get3A_402 = tpu.vector_load %arg10[%get3A_401] {strides = array<i32>} : memref<80xi32, #tpu.memory_space<vmem>>, vector<16xi32>,
      %get3A_403 = vector.shape_cast %get3A_402 : vector<16xi32> to vector<16xi32>
      %swap3A_404 = arith.constant 48 : index
      %swap3A_405 = tpu.vector_load %arg12[%swap3A_404] {strides = array<i32>} : memref<80xi32, #tpu.memory_space<vmem>>, vector<16xi32>,
      %swap3A_406 = vector.shape_cast %swap3A_405 : vector<16xi32> to vector<16xi32>
      %swap3A_407 = vector.shape_cast %get3A_403 : vector<16xi32> to vector<16xi32>
      tpu.vector_store %arg12[%swap3A_404], %swap3A_407 {strides = array<i32>} : memref<80xi32, #tpu.memory_space<vmem>>, vector<16xi32>,
      %get3A_408 = arith.constant 64 : index
      %get3A_409 = tpu.vector_load %arg10[%get3A_408] {strides = array<i32>} : memref<80xi32, #tpu.memory_space<vmem>>, vector<16xi32>,
      %get3A_410 = vector.shape_cast %get3A_409 : vector<16xi32> to vector<16xi32>
      %swap3A_411 = arith.constant 64 : index
      %swap3A_412 = tpu.vector_load %arg12[%swap3A_411] {strides = array<i32>} : memref<80xi32, #tpu.memory_space<vmem>>, vector<16xi32>,
      %swap3A_413 = vector.shape_cast %swap3A_412 : vector<16xi32> to vector<16xi32>
      %swap3A_414 = vector.shape_cast %get3A_410 : vector<16xi32> to vector<16xi32>
      tpu.vector_store %arg12[%swap3A_411], %swap3A_414 {strides = array<i32>} : memref<80xi32, #tpu.memory_space<vmem>>, vector<16xi32>,
      %dma_start3A_415 = arith.constant 0 : i32
      %dma_start3A_416 = arith.constant 0 : i32
      %dma_start3A_417 = tpu.memref_slice %arg18[%dma_start3A_415, %dma_start3A_416] : memref<10000x128xf32, #tpu.memory_space<vmem_shared>> -> memref<10000x128xf32, #tpu.memory_space<vmem_shared>>
      tpu.enqueue_indirect_dma source(%arg16 : memref<80x128xf32, #tpu.memory_space<vmem>>) target(%dma_start3A_417 : memref<10000x128xf32, #tpu.memory_space<vmem_shared>>) offsets(%arg12 : memref<80xi32, #tpu.memory_space<vmem>>) semaphore(%arg24 : memref<!tpu.dma_semaphore, #tpu.memory_space<semaphore_mem>>) {add = true}
      %add3A_418 = arith.constant 3 : i32
      %add3A_419 = arith.addi %mul3A_270, %add3A_418 : i32
      %lt3A = arith.constant 125 : i32
      %lt3A_420 = arith.cmpi slt, %add3A_419, %lt3A : i32
      %convert_element_type3A_421 = arith.extui %lt3A_420 : i1 to i32
      %cond3A_422 = arith.constant 0 : i32
      %cond3A_423 = arith.cmpi ne, %convert_element_type3A_421, %cond3A_422 : i32
      scf.if %cond3A_423 {
        %add3A_424 = arith.constant 3 : i32
        %add3A_425 = arith.addi %mul3A_270, %add3A_424 : i32
        %mul3A_426 = arith.constant 80 : i32
        %mul3A_427 = arith.muli %add3A_425, %mul3A_426 : i32
        %add3A_428 = arith.addi %add3A, %mul3A_427 : i32
        %dma_start3A_429 = tpu.memref_slice %arg4[%add3A_428] : memref<320000xi32, #tpu.memory_space<hbm>> -> memref<80xi32, #tpu.memory_space<hbm>>
        %dma_start3A_430 = tpu.memref_slice %arg4[%add3A_428] : memref<320000xi32, #tpu.memory_space<hbm>> -> memref<80xi32, #tpu.memory_space<hbm>>
        tpu.enqueue_dma source(%dma_start3A_430 : memref<80xi32, #tpu.memory_space<hbm>>) target(%arg8 : memref<80xi32, #tpu.memory_space<vmem>>) target_semaphore(%arg20 : memref<!tpu.dma_semaphore, #tpu.memory_space<semaphore_mem>>)
        %dma_start3A_431 = tpu.memref_slice %arg5[%add3A_428] : memref<320000xi32, #tpu.memory_space<hbm>> -> memref<80xi32, #tpu.memory_space<hbm>>
        %dma_start3A_432 = tpu.memref_slice %arg5[%add3A_428] : memref<320000xi32, #tpu.memory_space<hbm>> -> memref<80xi32, #tpu.memory_space<hbm>>
        tpu.enqueue_dma source(%dma_start3A_432 : memref<80xi32, #tpu.memory_space<hbm>>) target(%arg10 : memref<80xi32, #tpu.memory_space<vmem>>) target_semaphore(%arg20 : memref<!tpu.dma_semaphore, #tpu.memory_space<semaphore_mem>>)
        %dma_start3A_433 = arith.constant 0 : i32
        %dma_start3A_434 = tpu.memref_slice %arg3[%add3A_428, %dma_start3A_433] : memref<320000x128xf32, #tpu.memory_space<hbm>> -> memref<80x128xf32, #tpu.memory_space<hbm>>
        %dma_start3A_435 = arith.constant 0 : i32
        %dma_start3A_436 = tpu.memref_slice %arg3[%add3A_428, %dma_start3A_435] : memref<320000x128xf32, #tpu.memory_space<hbm>> -> memref<80x128xf32, #tpu.memory_space<hbm>>
        tpu.enqueue_dma source(%dma_start3A_436 : memref<80x128xf32, #tpu.memory_space<hbm>>) target(%arg14 : memref<80x128xf32, #tpu.memory_space<vmem>>) target_semaphore(%arg20 : memref<!tpu.dma_semaphore, #tpu.memory_space<semaphore_mem>>)
      } else {
      }
    }
    %scan3A_188 = arith.constant 61 : i32
    %dma_wait3A_189 = arith.constant 0 : i32
    %dma_wait3A_190 = tpu.memref_slice %arg4[%dma_wait3A_189] : memref<320000xi32, #tpu.memory_space<hbm>> -> memref<80xi32, #tpu.memory_space<hbm>>
    %dma_wait3A_191 = arith.constant 0 : i32
    %dma_wait3A_192 = tpu.memref_slice %arg4[%dma_wait3A_191] : memref<320000xi32, #tpu.memory_space<hbm>> -> memref<80xi32, #tpu.memory_space<hbm>>
    tpu.wait_dma2 semaphore(%arg19 : memref<!tpu.dma_semaphore, #tpu.memory_space<semaphore_mem>>) src(%dma_wait3A_192 : memref<80xi32, #tpu.memory_space<hbm>>) dst(%arg7 : memref<80xi32, #tpu.memory_space<vmem>>)
    %dma_wait3A_193 = arith.constant 0 : i32
    %dma_wait3A_194 = tpu.memref_slice %arg5[%dma_wait3A_193] : memref<320000xi32, #tpu.memory_space<hbm>> -> memref<80xi32, #tpu.memory_space<hbm>>
    %dma_wait3A_195 = arith.constant 0 : i32
    %dma_wait3A_196 = tpu.memref_slice %arg5[%dma_wait3A_195] : memref<320000xi32, #tpu.memory_space<hbm>> -> memref<80xi32, #tpu.memory_space<hbm>>
    tpu.wait_dma2 semaphore(%arg19 : memref<!tpu.dma_semaphore, #tpu.memory_space<semaphore_mem>>) src(%dma_wait3A_196 : memref<80xi32, #tpu.memory_space<hbm>>) dst(%arg9 : memref<80xi32, #tpu.memory_space<vmem>>)
    %dma_wait3A_197 = arith.constant 0 : i32
    %dma_wait3A_198 = arith.constant 0 : i32
    %dma_wait3A_199 = tpu.memref_slice %arg3[%dma_wait3A_197, %dma_wait3A_198] : memref<320000x128xf32, #tpu.memory_space<hbm>> -> memref<80x128xf32, #tpu.memory_space<hbm>>
    %dma_wait3A_200 = arith.constant 0 : i32
    %dma_wait3A_201 = arith.constant 0 : i32
    %dma_wait3A_202 = tpu.memref_slice %arg3[%dma_wait3A_200, %dma_wait3A_201] : memref<320000x128xf32, #tpu.memory_space<hbm>> -> memref<80x128xf32, #tpu.memory_space<hbm>>
    tpu.wait_dma2 semaphore(%arg19 : memref<!tpu.dma_semaphore, #tpu.memory_space<semaphore_mem>>) src(%dma_wait3A_202 : memref<80x128xf32, #tpu.memory_space<hbm>>) dst(%arg13 : memref<80x128xf32, #tpu.memory_space<vmem>>)
    %dma_wait3A_203 = arith.constant 0 : i32
    %dma_wait3A_204 = arith.constant 0 : i32
    %dma_wait3A_205 = tpu.memref_slice %arg18[%dma_wait3A_203, %dma_wait3A_204] : memref<10000x128xf32, #tpu.memory_space<vmem_shared>> -> memref<10000x128xf32, #tpu.memory_space<vmem_shared>>
    tpu.wait_indirect_dma semaphore(%arg23 : memref<!tpu.dma_semaphore, #tpu.memory_space<semaphore_mem>>) src(%arg15 : memref<80x128xf32, #tpu.memory_space<vmem>>) dst(%dma_wait3A_205 : memref<10000x128xf32, #tpu.memory_space<vmem_shared>>)
    %dma_start3A_206 = arith.constant 0 : i32
    %dma_start3A_207 = arith.constant 0 : i32
    %dma_start3A_208 = tpu.memref_slice %arg2[%dma_start3A_206, %dma_start3A_207] : memref<10000x128xf32, #tpu.memory_space<hbm>> -> memref<10000x128xf32, #tpu.memory_space<hbm>>
    tpu.enqueue_indirect_dma source(%dma_start3A_208 : memref<10000x128xf32, #tpu.memory_space<hbm>>) target(%arg15 : memref<80x128xf32, #tpu.memory_space<vmem>>) offsets(%arg7 : memref<80xi32, #tpu.memory_space<vmem>>) semaphore(%arg21 : memref<!tpu.dma_semaphore, #tpu.memory_space<semaphore_mem>>)
    %dma_wait3A_209 = arith.constant 0 : i32
    %dma_wait3A_210 = arith.constant 0 : i32
    %dma_wait3A_211 = tpu.memref_slice %arg2[%dma_wait3A_209, %dma_wait3A_210] : memref<10000x128xf32, #tpu.memory_space<hbm>> -> memref<10000x128xf32, #tpu.memory_space<hbm>>
    tpu.wait_indirect_dma semaphore(%arg21 : memref<!tpu.dma_semaphore, #tpu.memory_space<semaphore_mem>>) src(%dma_wait3A_211 : memref<10000x128xf32, #tpu.memory_space<hbm>>) dst(%arg15 : memref<80x128xf32, #tpu.memory_space<vmem>>)
    %scan3A_212 = arith.constant 0 : i32
    %scan3A_213 = arith.constant 0 : i32
    %scan3A_214 = arith.constant 80 : i32
    %scan3A_215 = arith.addi %scan3A_213, %scan3A_214 : i32
    %scan3A_216 = arith.constant 1 : i32
    scf.for %scan3A_268 = %scan3A_213 to %scan3A_215 step %scan3A_216  : i32 {
      %get3A_269 = arith.index_cast %scan3A_268 : i32 to index
      %get3A_270 = arith.constant 0 : index
      %get3A_271 = tpu.vector_load %arg15[%get3A_269, %get3A_270] {strides = array<i32>} : memref<80x128xf32, #tpu.memory_space<vmem>>, vector<1x16xf32>,
      %get3A_272 = vector.shape_cast %get3A_271 : vector<1x16xf32> to vector<16xf32>
      %get3A_273 = arith.index_cast %scan3A_268 : i32 to index
      %get3A_274 = arith.constant 0 : index
      %get3A_275 = tpu.vector_load %arg13[%get3A_273, %get3A_274] {strides = array<i32>} : memref<80x128xf32, #tpu.memory_space<vmem>>, vector<1x16xf32>,
      %get3A_276 = vector.shape_cast %get3A_275 : vector<1x16xf32> to vector<16xf32>
      %mul3A_277 = arith.mulf %get3A_272, %get3A_276 : vector<16xf32>
      %swap3A_278 = arith.index_cast %scan3A_268 : i32 to index
      %swap3A_279 = arith.constant 0 : index
      %swap3A_280 = tpu.vector_load %arg15[%swap3A_278, %swap3A_279] {strides = array<i32>} : memref<80x128xf32, #tpu.memory_space<vmem>>, vector<1x16xf32>,
      %swap3A_281 = vector.shape_cast %swap3A_280 : vector<1x16xf32> to vector<16xf32>
      %swap3A_282 = vector.shape_cast %mul3A_277 : vector<16xf32> to vector<1x16xf32>
      tpu.vector_store %arg15[%swap3A_278, %swap3A_279], %swap3A_282 {strides = array<i32>} : memref<80x128xf32, #tpu.memory_space<vmem>>, vector<1x16xf32>,
      %get3A_283 = arith.index_cast %scan3A_268 : i32 to index
      %get3A_284 = arith.constant 16 : index
      %get3A_285 = tpu.vector_load %arg15[%get3A_283, %get3A_284] {strides = array<i32>} : memref<80x128xf32, #tpu.memory_space<vmem>>, vector<1x16xf32>,
      %get3A_286 = vector.shape_cast %get3A_285 : vector<1x16xf32> to vector<16xf32>
      %get3A_287 = arith.index_cast %scan3A_268 : i32 to index
      %get3A_288 = arith.constant 16 : index
      %get3A_289 = tpu.vector_load %arg13[%get3A_287, %get3A_288] {strides = array<i32>} : memref<80x128xf32, #tpu.memory_space<vmem>>, vector<1x16xf32>,
      %get3A_290 = vector.shape_cast %get3A_289 : vector<1x16xf32> to vector<16xf32>
      %mul3A_291 = arith.mulf %get3A_286, %get3A_290 : vector<16xf32>
      %swap3A_292 = arith.index_cast %scan3A_268 : i32 to index
      %swap3A_293 = arith.constant 16 : index
      %swap3A_294 = tpu.vector_load %arg15[%swap3A_292, %swap3A_293] {strides = array<i32>} : memref<80x128xf32, #tpu.memory_space<vmem>>, vector<1x16xf32>,
      %swap3A_295 = vector.shape_cast %swap3A_294 : vector<1x16xf32> to vector<16xf32>
      %swap3A_296 = vector.shape_cast %mul3A_291 : vector<16xf32> to vector<1x16xf32>
      tpu.vector_store %arg15[%swap3A_292, %swap3A_293], %swap3A_296 {strides = array<i32>} : memref<80x128xf32, #tpu.memory_space<vmem>>, vector<1x16xf32>,
      %get3A_297 = arith.index_cast %scan3A_268 : i32 to index
      %get3A_298 = arith.constant 32 : index
      %get3A_299 = tpu.vector_load %arg15[%get3A_297, %get3A_298] {strides = array<i32>} : memref<80x128xf32, #tpu.memory_space<vmem>>, vector<1x16xf32>,
      %get3A_300 = vector.shape_cast %get3A_299 : vector<1x16xf32> to vector<16xf32>
      %get3A_301 = arith.index_cast %scan3A_268 : i32 to index
      %get3A_302 = arith.constant 32 : index
      %get3A_303 = tpu.vector_load %arg13[%get3A_301, %get3A_302] {strides = array<i32>} : memref<80x128xf32, #tpu.memory_space<vmem>>, vector<1x16xf32>,
      %get3A_304 = vector.shape_cast %get3A_303 : vector<1x16xf32> to vector<16xf32>
      %mul3A_305 = arith.mulf %get3A_300, %get3A_304 : vector<16xf32>
      %swap3A_306 = arith.index_cast %scan3A_268 : i32 to index
      %swap3A_307 = arith.constant 32 : index
      %swap3A_308 = tpu.vector_load %arg15[%swap3A_306, %swap3A_307] {strides = array<i32>} : memref<80x128xf32, #tpu.memory_space<vmem>>, vector<1x16xf32>,
      %swap3A_309 = vector.shape_cast %swap3A_308 : vector<1x16xf32> to vector<16xf32>
      %swap3A_310 = vector.shape_cast %mul3A_305 : vector<16xf32> to vector<1x16xf32>
      tpu.vector_store %arg15[%swap3A_306, %swap3A_307], %swap3A_310 {strides = array<i32>} : memref<80x128xf32, #tpu.memory_space<vmem>>, vector<1x16xf32>,
      %get3A_311 = arith.index_cast %scan3A_268 : i32 to index
      %get3A_312 = arith.constant 48 : index
      %get3A_313 = tpu.vector_load %arg15[%get3A_311, %get3A_312] {strides = array<i32>} : memref<80x128xf32, #tpu.memory_space<vmem>>, vector<1x16xf32>,
      %get3A_314 = vector.shape_cast %get3A_313 : vector<1x16xf32> to vector<16xf32>
      %get3A_315 = arith.index_cast %scan3A_268 : i32 to index
      %get3A_316 = arith.constant 48 : index
      %get3A_317 = tpu.vector_load %arg13[%get3A_315, %get3A_316] {strides = array<i32>} : memref<80x128xf32, #tpu.memory_space<vmem>>, vector<1x16xf32>,
      %get3A_318 = vector.shape_cast %get3A_317 : vector<1x16xf32> to vector<16xf32>
      %mul3A_319 = arith.mulf %get3A_314, %get3A_318 : vector<16xf32>
      %swap3A_320 = arith.index_cast %scan3A_268 : i32 to index
      %swap3A_321 = arith.constant 48 : index
      %swap3A_322 = tpu.vector_load %arg15[%swap3A_320, %swap3A_321] {strides = array<i32>} : memref<80x128xf32, #tpu.memory_space<vmem>>, vector<1x16xf32>,
      %swap3A_323 = vector.shape_cast %swap3A_322 : vector<1x16xf32> to vector<16xf32>
      %swap3A_324 = vector.shape_cast %mul3A_319 : vector<16xf32> to vector<1x16xf32>
      tpu.vector_store %arg15[%swap3A_320, %swap3A_321], %swap3A_324 {strides = array<i32>} : memref<80x128xf32, #tpu.memory_space<vmem>>, vector<1x16xf32>,
      %get3A_325 = arith.index_cast %scan3A_268 : i32 to index
      %get3A_326 = arith.constant 64 : index
      %get3A_327 = tpu.vector_load %arg15[%get3A_325, %get3A_326] {strides = array<i32>} : memref<80x128xf32, #tpu.memory_space<vmem>>, vector<1x16xf32>,
      %get3A_328 = vector.shape_cast %get3A_327 : vector<1x16xf32> to vector<16xf32>
      %get3A_329 = arith.index_cast %scan3A_268 : i32 to index
      %get3A_330 = arith.constant 64 : index
      %get3A_331 = tpu.vector_load %arg13[%get3A_329, %get3A_330] {strides = array<i32>} : memref<80x128xf32, #tpu.memory_space<vmem>>, vector<1x16xf32>,
      %get3A_332 = vector.shape_cast %get3A_331 : vector<1x16xf32> to vector<16xf32>
      %mul3A_333 = arith.mulf %get3A_328, %get3A_332 : vector<16xf32>
      %swap3A_334 = arith.index_cast %scan3A_268 : i32 to index
      %swap3A_335 = arith.constant 64 : index
      %swap3A_336 = tpu.vector_load %arg15[%swap3A_334, %swap3A_335] {strides = array<i32>} : memref<80x128xf32, #tpu.memory_space<vmem>>, vector<1x16xf32>,
      %swap3A_337 = vector.shape_cast %swap3A_336 : vector<1x16xf32> to vector<16xf32>
      %swap3A_338 = vector.shape_cast %mul3A_333 : vector<16xf32> to vector<1x16xf32>
      tpu.vector_store %arg15[%swap3A_334, %swap3A_335], %swap3A_338 {strides = array<i32>} : memref<80x128xf32, #tpu.memory_space<vmem>>, vector<1x16xf32>,
      %get3A_339 = arith.index_cast %scan3A_268 : i32 to index
      %get3A_340 = arith.constant 80 : index
      %get3A_341 = tpu.vector_load %arg15[%get3A_339, %get3A_340] {strides = array<i32>} : memref<80x128xf32, #tpu.memory_space<vmem>>, vector<1x16xf32>,
      %get3A_342 = vector.shape_cast %get3A_341 : vector<1x16xf32> to vector<16xf32>
      %get3A_343 = arith.index_cast %scan3A_268 : i32 to index
      %get3A_344 = arith.constant 80 : index
      %get3A_345 = tpu.vector_load %arg13[%get3A_343, %get3A_344] {strides = array<i32>} : memref<80x128xf32, #tpu.memory_space<vmem>>, vector<1x16xf32>,
      %get3A_346 = vector.shape_cast %get3A_345 : vector<1x16xf32> to vector<16xf32>
      %mul3A_347 = arith.mulf %get3A_342, %get3A_346 : vector<16xf32>
      %swap3A_348 = arith.index_cast %scan3A_268 : i32 to index
      %swap3A_349 = arith.constant 80 : index
      %swap3A_350 = tpu.vector_load %arg15[%swap3A_348, %swap3A_349] {strides = array<i32>} : memref<80x128xf32, #tpu.memory_space<vmem>>, vector<1x16xf32>,
      %swap3A_351 = vector.shape_cast %swap3A_350 : vector<1x16xf32> to vector<16xf32>
      %swap3A_352 = vector.shape_cast %mul3A_347 : vector<16xf32> to vector<1x16xf32>
      tpu.vector_store %arg15[%swap3A_348, %swap3A_349], %swap3A_352 {strides = array<i32>} : memref<80x128xf32, #tpu.memory_space<vmem>>, vector<1x16xf32>,
      %get3A_353 = arith.index_cast %scan3A_268 : i32 to index
      %get3A_354 = arith.constant 96 : index
      %get3A_355 = tpu.vector_load %arg15[%get3A_353, %get3A_354] {strides = array<i32>} : memref<80x128xf32, #tpu.memory_space<vmem>>, vector<1x16xf32>,
      %get3A_356 = vector.shape_cast %get3A_355 : vector<1x16xf32> to vector<16xf32>
      %get3A_357 = arith.index_cast %scan3A_268 : i32 to index
      %get3A_358 = arith.constant 96 : index
      %get3A_359 = tpu.vector_load %arg13[%get3A_357, %get3A_358] {strides = array<i32>} : memref<80x128xf32, #tpu.memory_space<vmem>>, vector<1x16xf32>,
      %get3A_360 = vector.shape_cast %get3A_359 : vector<1x16xf32> to vector<16xf32>
      %mul3A_361 = arith.mulf %get3A_356, %get3A_360 : vector<16xf32>
      %swap3A_362 = arith.index_cast %scan3A_268 : i32 to index
      %swap3A_363 = arith.constant 96 : index
      %swap3A_364 = tpu.vector_load %arg15[%swap3A_362, %swap3A_363] {strides = array<i32>} : memref<80x128xf32, #tpu.memory_space<vmem>>, vector<1x16xf32>,
      %swap3A_365 = vector.shape_cast %swap3A_364 : vector<1x16xf32> to vector<16xf32>
      %swap3A_366 = vector.shape_cast %mul3A_361 : vector<16xf32> to vector<1x16xf32>
      tpu.vector_store %arg15[%swap3A_362, %swap3A_363], %swap3A_366 {strides = array<i32>} : memref<80x128xf32, #tpu.memory_space<vmem>>, vector<1x16xf32>,
      %get3A_367 = arith.index_cast %scan3A_268 : i32 to index
      %get3A_368 = arith.constant 112 : index
      %get3A_369 = tpu.vector_load %arg15[%get3A_367, %get3A_368] {strides = array<i32>} : memref<80x128xf32, #tpu.memory_space<vmem>>, vector<1x16xf32>,
      %get3A_370 = vector.shape_cast %get3A_369 : vector<1x16xf32> to vector<16xf32>
      %get3A_371 = arith.index_cast %scan3A_268 : i32 to index
      %get3A_372 = arith.constant 112 : index
      %get3A_373 = tpu.vector_load %arg13[%get3A_371, %get3A_372] {strides = array<i32>} : memref<80x128xf32, #tpu.memory_space<vmem>>, vector<1x16xf32>,
      %get3A_374 = vector.shape_cast %get3A_373 : vector<1x16xf32> to vector<16xf32>
      %mul3A_375 = arith.mulf %get3A_370, %get3A_374 : vector<16xf32>
      %swap3A_376 = arith.index_cast %scan3A_268 : i32 to index
      %swap3A_377 = arith.constant 112 : index
      %swap3A_378 = tpu.vector_load %arg15[%swap3A_376, %swap3A_377] {strides = array<i32>} : memref<80x128xf32, #tpu.memory_space<vmem>>, vector<1x16xf32>,
      %swap3A_379 = vector.shape_cast %swap3A_378 : vector<1x16xf32> to vector<16xf32>
      %swap3A_380 = vector.shape_cast %mul3A_375 : vector<16xf32> to vector<1x16xf32>
      tpu.vector_store %arg15[%swap3A_376, %swap3A_377], %swap3A_380 {strides = array<i32>} : memref<80x128xf32, #tpu.memory_space<vmem>>, vector<1x16xf32>,
    }
    %scan3A_217 = arith.constant 80 : i32
    %get3A_218 = arith.constant 0 : index
    %get3A_219 = tpu.vector_load %arg9[%get3A_218] {strides = array<i32>} : memref<80xi32, #tpu.memory_space<vmem>>, vector<16xi32>,
    %get3A_220 = vector.shape_cast %get3A_219 : vector<16xi32> to vector<16xi32>
    %swap3A_221 = arith.constant 0 : index
    %swap3A_222 = tpu.vector_load %arg11[%swap3A_221] {strides = array<i32>} : memref<80xi32, #tpu.memory_space<vmem>>, vector<16xi32>,
    %swap3A_223 = vector.shape_cast %swap3A_222 : vector<16xi32> to vector<16xi32>
    %swap3A_224 = vector.shape_cast %get3A_220 : vector<16xi32> to vector<16xi32>
    tpu.vector_store %arg11[%swap3A_221], %swap3A_224 {strides = array<i32>} : memref<80xi32, #tpu.memory_space<vmem>>, vector<16xi32>,
    %get3A_225 = arith.constant 16 : index
    %get3A_226 = tpu.vector_load %arg9[%get3A_225] {strides = array<i32>} : memref<80xi32, #tpu.memory_space<vmem>>, vector<16xi32>,
    %get3A_227 = vector.shape_cast %get3A_226 : vector<16xi32> to vector<16xi32>
    %swap3A_228 = arith.constant 16 : index
    %swap3A_229 = tpu.vector_load %arg11[%swap3A_228] {strides = array<i32>} : memref<80xi32, #tpu.memory_space<vmem>>, vector<16xi32>,
    %swap3A_230 = vector.shape_cast %swap3A_229 : vector<16xi32> to vector<16xi32>
    %swap3A_231 = vector.shape_cast %get3A_227 : vector<16xi32> to vector<16xi32>
    tpu.vector_store %arg11[%swap3A_228], %swap3A_231 {strides = array<i32>} : memref<80xi32, #tpu.memory_space<vmem>>, vector<16xi32>,
    %get3A_232 = arith.constant 32 : index
    %get3A_233 = tpu.vector_load %arg9[%get3A_232] {strides = array<i32>} : memref<80xi32, #tpu.memory_space<vmem>>, vector<16xi32>,
    %get3A_234 = vector.shape_cast %get3A_233 : vector<16xi32> to vector<16xi32>
    %swap3A_235 = arith.constant 32 : index
    %swap3A_236 = tpu.vector_load %arg11[%swap3A_235] {strides = array<i32>} : memref<80xi32, #tpu.memory_space<vmem>>, vector<16xi32>,
    %swap3A_237 = vector.shape_cast %swap3A_236 : vector<16xi32> to vector<16xi32>
    %swap3A_238 = vector.shape_cast %get3A_234 : vector<16xi32> to vector<16xi32>
    tpu.vector_store %arg11[%swap3A_235], %swap3A_238 {strides = array<i32>} : memref<80xi32, #tpu.memory_space<vmem>>, vector<16xi32>,
    %get3A_239 = arith.constant 48 : index
    %get3A_240 = tpu.vector_load %arg9[%get3A_239] {strides = array<i32>} : memref<80xi32, #tpu.memory_space<vmem>>, vector<16xi32>,
    %get3A_241 = vector.shape_cast %get3A_240 : vector<16xi32> to vector<16xi32>
    %swap3A_242 = arith.constant 48 : index
    %swap3A_243 = tpu.vector_load %arg11[%swap3A_242] {strides = array<i32>} : memref<80xi32, #tpu.memory_space<vmem>>, vector<16xi32>,
    %swap3A_244 = vector.shape_cast %swap3A_243 : vector<16xi32> to vector<16xi32>
    %swap3A_245 = vector.shape_cast %get3A_241 : vector<16xi32> to vector<16xi32>
    tpu.vector_store %arg11[%swap3A_242], %swap3A_245 {strides = array<i32>} : memref<80xi32, #tpu.memory_space<vmem>>, vector<16xi32>,
    %get3A_246 = arith.constant 64 : index
    %get3A_247 = tpu.vector_load %arg9[%get3A_246] {strides = array<i32>} : memref<80xi32, #tpu.memory_space<vmem>>, vector<16xi32>,
    %get3A_248 = vector.shape_cast %get3A_247 : vector<16xi32> to vector<16xi32>
    %swap3A_249 = arith.constant 64 : index
    %swap3A_250 = tpu.vector_load %arg11[%swap3A_249] {strides = array<i32>} : memref<80xi32, #tpu.memory_space<vmem>>, vector<16xi32>,
    %swap3A_251 = vector.shape_cast %swap3A_250 : vector<16xi32> to vector<16xi32>
    %swap3A_252 = vector.shape_cast %get3A_248 : vector<16xi32> to vector<16xi32>
    tpu.vector_store %arg11[%swap3A_249], %swap3A_252 {strides = array<i32>} : memref<80xi32, #tpu.memory_space<vmem>>, vector<16xi32>,
    %dma_start3A_253 = arith.constant 0 : i32
    %dma_start3A_254 = arith.constant 0 : i32
    %dma_start3A_255 = tpu.memref_slice %arg18[%dma_start3A_253, %dma_start3A_254] : memref<10000x128xf32, #tpu.memory_space<vmem_shared>> -> memref<10000x128xf32, #tpu.memory_space<vmem_shared>>
    tpu.enqueue_indirect_dma source(%arg15 : memref<80x128xf32, #tpu.memory_space<vmem>>) target(%dma_start3A_255 : memref<10000x128xf32, #tpu.memory_space<vmem_shared>>) offsets(%arg11 : memref<80xi32, #tpu.memory_space<vmem>>) semaphore(%arg23 : memref<!tpu.dma_semaphore, #tpu.memory_space<semaphore_mem>>) {add = true}
    %dma_wait3A_256 = arith.constant 0 : i32
    %dma_wait3A_257 = arith.constant 0 : i32
    %dma_wait3A_258 = tpu.memref_slice %arg18[%dma_wait3A_256, %dma_wait3A_257] : memref<10000x128xf32, #tpu.memory_space<vmem_shared>> -> memref<10000x128xf32, #tpu.memory_space<vmem_shared>>
    tpu.wait_indirect_dma semaphore(%arg23 : memref<!tpu.dma_semaphore, #tpu.memory_space<semaphore_mem>>) src(%arg15 : memref<80x128xf32, #tpu.memory_space<vmem>>) dst(%dma_wait3A_258 : memref<10000x128xf32, #tpu.memory_space<vmem_shared>>)
    %dma_wait3A_259 = arith.constant 0 : i32
    %dma_wait3A_260 = arith.constant 0 : i32
    %dma_wait3A_261 = tpu.memref_slice %arg18[%dma_wait3A_259, %dma_wait3A_260] : memref<10000x128xf32, #tpu.memory_space<vmem_shared>> -> memref<10000x128xf32, #tpu.memory_space<vmem_shared>>
    tpu.wait_indirect_dma semaphore(%arg24 : memref<!tpu.dma_semaphore, #tpu.memory_space<semaphore_mem>>) src(%arg16 : memref<80x128xf32, #tpu.memory_space<vmem>>) dst(%dma_wait3A_261 : memref<10000x128xf32, #tpu.memory_space<vmem_shared>>)
    %barrier3A_262 = arith.constant 0 : index
    tpu.barrier barrier_id(%barrier3A_262)
    "tpu.region"() ({
      %run_scoped3A = tpu.sem_alloc : memref<!tpu.dma_semaphore, #tpu.memory_space<semaphore_mem>>
      %dma_start3A_268 = arith.constant 0 : i32
      %dma_start3A_269 = tpu.memref_slice %arg6[%arg0, %mul3A_6, %dma_start3A_268] : memref<2x10000x128xf32, #tpu.memory_space<hbm>> -> memref<1x624x128xf32, #tpu.memory_space<hbm>>
      %dma_start3A_270 = tpu.memref_squeeze %dma_start3A_269 : memref<1x624x128xf32, #tpu.memory_space<hbm>> -> memref<624x128xf32, #tpu.memory_space<hbm>>
      %dma_start3A_271 = arith.constant 0 : i32
      %dma_start3A_272 = tpu.memref_slice %arg18[%mul3A_6, %dma_start3A_271] : memref<10000x128xf32, #tpu.memory_space<vmem_shared>> -> memref<624x128xf32, #tpu.memory_space<vmem_shared>>
      tpu.enqueue_dma source(%dma_start3A_272 : memref<624x128xf32, #tpu.memory_space<vmem_shared>>) target(%dma_start3A_270 : memref<624x128xf32, #tpu.memory_space<hbm>>) target_semaphore(%run_scoped3A : memref<!tpu.dma_semaphore, #tpu.memory_space<semaphore_mem>>)
      %dma_wait3A_273 = arith.constant 0 : i32
      %dma_wait3A_274 = tpu.memref_slice %arg6[%arg0, %mul3A_6, %dma_wait3A_273] : memref<2x10000x128xf32, #tpu.memory_space<hbm>> -> memref<1x624x128xf32, #tpu.memory_space<hbm>>
      %dma_wait3A_275 = tpu.memref_squeeze %dma_wait3A_274 : memref<1x624x128xf32, #tpu.memory_space<hbm>> -> memref<624x128xf32, #tpu.memory_space<hbm>>
      %dma_wait3A_276 = arith.constant 0 : i32
      %dma_wait3A_277 = tpu.memref_slice %arg18[%mul3A_6, %dma_wait3A_276] : memref<10000x128xf32, #tpu.memory_space<vmem_shared>> -> memref<624x128xf32, #tpu.memory_space<vmem_shared>>
      tpu.wait_dma2 semaphore(%run_scoped3A : memref<!tpu.dma_semaphore, #tpu.memory_space<semaphore_mem>>) src(%dma_wait3A_277 : memref<624x128xf32, #tpu.memory_space<vmem_shared>>) dst(%dma_wait3A_275 : memref<624x128xf32, #tpu.memory_space<hbm>>)
      tpu.yield
    }) : () -> ()
    %eq3A_263 = arith.constant 0 : i32
    %eq3A_264 = arith.cmpi eq, %arg1, %eq3A_263 : i32
    %convert_element_type3A_265 = arith.extui %eq3A_264 : i1 to i32
    %cond3A_266 = arith.constant 0 : i32
    %cond3A_267 = arith.cmpi ne, %convert_element_type3A_265, %cond3A_266 : i32
    scf.if %cond3A_267 {
      "tpu.region"() ({
        %run_scoped3A = tpu.sem_alloc : memref<!tpu.dma_semaphore, #tpu.memory_space<semaphore_mem>>
        %dma_start3A_268 = arith.constant 9984 : i32
        %dma_start3A_269 = arith.constant 0 : i32
        %dma_start3A_270 = tpu.memref_slice %arg6[%arg0, %dma_start3A_268, %dma_start3A_269] : memref<2x10000x128xf32, #tpu.memory_space<hbm>> -> memref<1x16x128xf32, #tpu.memory_space<hbm>>
        %dma_start3A_271 = tpu.memref_squeeze %dma_start3A_270 : memref<1x16x128xf32, #tpu.memory_space<hbm>> -> memref<16x128xf32, #tpu.memory_space<hbm>>
        %dma_start3A_272 = arith.constant 9984 : i32
        %dma_start3A_273 = arith.constant 0 : i32
        %dma_start3A_274 = tpu.memref_slice %arg18[%dma_start3A_272, %dma_start3A_273] : memref<10000x128xf32, #tpu.memory_space<vmem_shared>> -> memref<16x128xf32, #tpu.memory_space<vmem_shared>>
        tpu.enqueue_dma source(%dma_start3A_274 : memref<16x128xf32, #tpu.memory_space<vmem_shared>>) target(%dma_start3A_271 : memref<16x128xf32, #tpu.memory_space<hbm>>) target_semaphore(%run_scoped3A : memref<!tpu.dma_semaphore, #tpu.memory_space<semaphore_mem>>)
        %dma_wait3A_275 = arith.constant 9984 : i32
        %dma_wait3A_276 = arith.constant 0 : i32
        %dma_wait3A_277 = tpu.memref_slice %arg6[%arg0, %dma_wait3A_275, %dma_wait3A_276] : memref<2x10000x128xf32, #tpu.memory_space<hbm>> -> memref<1x16x128xf32, #tpu.memory_space<hbm>>
        %dma_wait3A_278 = tpu.memref_squeeze %dma_wait3A_277 : memref<1x16x128xf32, #tpu.memory_space<hbm>> -> memref<16x128xf32, #tpu.memory_space<hbm>>
        %dma_wait3A_279 = arith.constant 9984 : i32
        %dma_wait3A_280 = arith.constant 0 : i32
        %dma_wait3A_281 = tpu.memref_slice %arg18[%dma_wait3A_279, %dma_wait3A_280] : memref<10000x128xf32, #tpu.memory_space<vmem_shared>> -> memref<16x128xf32, #tpu.memory_space<vmem_shared>>
        tpu.wait_dma2 semaphore(%run_scoped3A : memref<!tpu.dma_semaphore, #tpu.memory_space<semaphore_mem>>) src(%dma_wait3A_281 : memref<16x128xf32, #tpu.memory_space<vmem_shared>>) dst(%dma_wait3A_278 : memref<16x128xf32, #tpu.memory_space<hbm>>)
        tpu.yield
      }) : () -> ()
    } else {
    }
    return
  }
}

module attributes {stable_mosaic.version = 14 : i64} {
  func.func @body(%arg0: memref<2x2500x128xi32, #tpu.memory_space<vmem>>, %arg1: memref<2500x128xi32, #tpu.memory_space<vmem>>, %arg2: memref<2500x128xi32, #tpu.memory_space<vmem>>) attributes {dimension_semantics = [], scalar_prefetch = 0 : i64, scratch_operands = 0 : i64, tpu.core_type = #tpu.core_type<tc>} {
    %get3A = arith.constant 0 : index
    %get3A_0 = arith.constant 0 : index
    %get3A_1 = arith.constant 0 : index
    %get3A_2 = vector.load %arg0[%get3A, %get3A_0, %get3A_1] : memref<2x2500x128xi32, #tpu.memory_space<vmem>>, vector<1x2500x128xi32>
    %get3A_3 = vector.shape_cast %get3A_2 : vector<1x2500x128xi32> to vector<2500x128xi32>
    %swap3A = arith.constant 0 : index
    %swap3A_4 = arith.constant 0 : index
    %swap3A_5 = vector.load %arg1[%swap3A, %swap3A_4] : memref<2500x128xi32, #tpu.memory_space<vmem>>, vector<2500x128xi32>
    tpu.vector_store %arg1[%swap3A, %swap3A_4], %get3A_3 {strides = array<i32>} : memref<2500x128xi32, #tpu.memory_space<vmem>>, vector<2500x128xi32>,
    %get3A_6 = arith.constant 1 : index
    %get3A_7 = arith.constant 0 : index
    %get3A_8 = arith.constant 0 : index
    %get3A_9 = vector.load %arg0[%get3A_6, %get3A_7, %get3A_8] : memref<2x2500x128xi32, #tpu.memory_space<vmem>>, vector<1x2500x128xi32>
    %get3A_10 = vector.shape_cast %get3A_9 : vector<1x2500x128xi32> to vector<2500x128xi32>
    %swap3A_11 = arith.constant 0 : index
    %swap3A_12 = arith.constant 0 : index
    %swap3A_13 = vector.load %arg2[%swap3A_11, %swap3A_12] : memref<2500x128xi32, #tpu.memory_space<vmem>>, vector<2500x128xi32>
    tpu.vector_store %arg2[%swap3A_11, %swap3A_12], %get3A_10 {strides = array<i32>} : memref<2500x128xi32, #tpu.memory_space<vmem>>, vector<2500x128xi32>,
    return
  }
}

module attributes {stable_mosaic.version = 14 : i64} {
  func.func @body(%arg0: i32, %arg1: memref<2000x128xf32, #tpu.memory_space<vmem>>, %arg2: memref<128x1024xf32, #tpu.memory_space<vmem>>, %arg3: memref<1x1024xf32, #tpu.memory_space<vmem>>, %arg4: memref<16000x128xf32, #tpu.memory_space<vmem>>) attributes {dimension_semantics = [#tpu.dimension_semantics<arbitrary>], iteration_bounds = array<i64: 20>, scalar_prefetch = 0 : i64, scratch_operands = 0 : i64, tpu.core_type = #tpu.core_type<tc>, window_params = [{transform_indices = @transform_0, window_bounds = array<i64: 2000, 128>}, {pipeline_mode = #tpu.pipeline_mode<synchronous>, transform_indices = @transform_1, window_bounds = array<i64: 128, 1024>}, {pipeline_mode = #tpu.pipeline_mode<synchronous>, transform_indices = @transform_2, window_bounds = array<i64: 1, 1024>}, {transform_indices = @transform_3, window_bounds = array<i64: 16000, 128>}]} {
    %get3A = arith.constant 0 : index
    %get3A_0 = arith.constant 0 : index
    %get3A_1 = vector.load %arg1[%get3A, %get3A_0] : memref<2000x128xf32, #tpu.memory_space<vmem>>, vector<2000x128xf32>
    %get3A_2 = arith.constant 0 : index
    %get3A_3 = arith.constant 0 : index
    %get3A_4 = vector.load %arg2[%get3A_2, %get3A_3] : memref<128x1024xf32, #tpu.memory_space<vmem>>, vector<128x1024xf32>
    %dot_general3A = arith.constant dense<0.000000e+00> : vector<2000x1024xf32>
    %dot_general3A_5 = tpu.matmul %get3A_1, %get3A_4, %dot_general3A {dimension_numbers = #tpu.dot_dimension_numbers<[1], [0], [0], [1], [0, 0, 1, 1], [], []>, transpose_lhs_hint = false} : vector<2000x128xf32>, vector<128x1024xf32>, vector<2000x1024xf32> -> vector<2000x1024xf32>
    %get3A_6 = arith.constant 0 : index
    %get3A_7 = arith.constant 0 : index
    %get3A_8 = vector.load %arg3[%get3A_6, %get3A_7] : memref<1x1024xf32, #tpu.memory_space<vmem>>, vector<1x1024xf32>
    %add3A = vector.broadcast %get3A_8 : vector<1x1024xf32> to vector<2000x1024xf32>
    %add3A_9 = arith.addf %dot_general3A_5, %add3A : vector<2000x1024xf32>
    %reshape3A = vector.shape_cast %add3A_9 : vector<2000x1024xf32> to vector<16000x128xf32>
    %swap3A = arith.constant 0 : index
    %swap3A_10 = arith.constant 0 : index
    %swap3A_11 = vector.load %arg4[%swap3A, %swap3A_10] : memref<16000x128xf32, #tpu.memory_space<vmem>>, vector<16000x128xf32>
    tpu.vector_store %arg4[%swap3A, %swap3A_10], %reshape3A {strides = array<i32>} : memref<16000x128xf32, #tpu.memory_space<vmem>>, vector<16000x128xf32>,
    return
  }
  func.func @transform_0(%arg0: i32) -> (i32, i32) {
    %c0_i32 = arith.constant 0 : i32
    %c0_i32_0 = arith.constant 0 : i32
    return %arg0, %c0_i32 : i32, i32
  }
  func.func @transform_1(%arg0: i32) -> (i32, i32) {
    %c0_i32 = arith.constant 0 : i32
    %c0_i32_0 = arith.constant 0 : i32
    %c0_i32_1 = arith.constant 0 : i32
    return %c0_i32, %c0_i32_0 : i32, i32
  }
  func.func @transform_2(%arg0: i32) -> (i32, i32) {
    %c0_i32 = arith.constant 0 : i32
    %c0_i32_0 = arith.constant 0 : i32
    %c0_i32_1 = arith.constant 0 : i32
    return %c0_i32, %c0_i32_0 : i32, i32
  }
  func.func @transform_3(%arg0: i32) -> (i32, i32) {
    %c0_i32 = arith.constant 0 : i32
    %c0_i32_0 = arith.constant 0 : i32
    return %arg0, %c0_i32 : i32, i32
  }
}

module attributes {stable_mosaic.version = 14 : i64} {
  func.func @body(%arg0: memref<10000x128xf32, #tpu.memory_space<vmem>>, %arg1: memref<128x128xf32, #tpu.memory_space<vmem>>, %arg2: memref<1x128xf32, #tpu.memory_space<vmem>>, %arg3: memref<10000x128xf32, #tpu.memory_space<vmem>>) attributes {dimension_semantics = [], scalar_prefetch = 0 : i64, scratch_operands = 0 : i64, tpu.core_type = #tpu.core_type<tc>} {
    %get3A = arith.constant 0 : index
    %get3A_0 = arith.constant 0 : index
    %get3A_1 = vector.load %arg0[%get3A, %get3A_0] : memref<10000x128xf32, #tpu.memory_space<vmem>>, vector<10000x128xf32>
    %get3A_2 = arith.constant 0 : index
    %get3A_3 = arith.constant 0 : index
    %get3A_4 = vector.load %arg1[%get3A_2, %get3A_3] : memref<128x128xf32, #tpu.memory_space<vmem>>, vector<128x128xf32>
    %dot_general3A = arith.constant dense<0.000000e+00> : vector<10000x128xf32>
    %dot_general3A_5 = tpu.matmul %get3A_1, %get3A_4, %dot_general3A {dimension_numbers = #tpu.dot_dimension_numbers<[1], [0], [0], [1], [0, 0, 1, 1], [], []>, transpose_lhs_hint = false} : vector<10000x128xf32>, vector<128x128xf32>, vector<10000x128xf32> -> vector<10000x128xf32>
    %get3A_6 = arith.constant 0 : index
    %get3A_7 = arith.constant 0 : index
    %get3A_8 = vector.load %arg2[%get3A_6, %get3A_7] : memref<1x128xf32, #tpu.memory_space<vmem>>, vector<1x128xf32>
    %add3A = vector.broadcast %get3A_8 : vector<1x128xf32> to vector<10000x128xf32>
    %add3A_9 = arith.addf %dot_general3A_5, %add3A : vector<10000x128xf32>
    %swap3A = arith.constant 0 : index
    %swap3A_10 = arith.constant 0 : index
    %swap3A_11 = vector.load %arg3[%swap3A, %swap3A_10] : memref<10000x128xf32, #tpu.memory_space<vmem>>, vector<10000x128xf32>
    tpu.vector_store %arg3[%swap3A, %swap3A_10], %add3A_9 {strides = array<i32>} : memref<10000x128xf32, #tpu.memory_space<vmem>>, vector<10000x128xf32>,
    return
  }
}

module attributes {stable_mosaic.version = 14 : i64} {
  func.func @body(%arg0: memref<2x10000x128xf32, #tpu.memory_space<vmem>>, %arg1: memref<128x128xf32, #tpu.memory_space<vmem>>, %arg2: memref<1x128xf32, #tpu.memory_space<vmem>>, %arg3: memref<10000x128xf32, #tpu.memory_space<vmem>>) attributes {dimension_semantics = [], scalar_prefetch = 0 : i64, scratch_operands = 0 : i64, tpu.core_type = #tpu.core_type<tc>} {
    %get3A = arith.constant 0 : index
    %get3A_0 = arith.constant 0 : index
    %get3A_1 = arith.constant 0 : index
    %get3A_2 = vector.load %arg0[%get3A, %get3A_0, %get3A_1] : memref<2x10000x128xf32, #tpu.memory_space<vmem>>, vector<1x10000x128xf32>
    %get3A_3 = vector.shape_cast %get3A_2 : vector<1x10000x128xf32> to vector<10000x128xf32>
    %get3A_4 = arith.constant 1 : index
    %get3A_5 = arith.constant 0 : index
    %get3A_6 = arith.constant 0 : index
    %get3A_7 = vector.load %arg0[%get3A_4, %get3A_5, %get3A_6] : memref<2x10000x128xf32, #tpu.memory_space<vmem>>, vector<1x10000x128xf32>
    %get3A_8 = vector.shape_cast %get3A_7 : vector<1x10000x128xf32> to vector<10000x128xf32>
    %add3A = arith.addf %get3A_3, %get3A_8 : vector<10000x128xf32>
    %get3A_9 = arith.constant 0 : index
    %get3A_10 = arith.constant 0 : index
    %get3A_11 = vector.load %arg1[%get3A_9, %get3A_10] : memref<128x128xf32, #tpu.memory_space<vmem>>, vector<128x128xf32>
    %dot_general3A = arith.constant dense<0.000000e+00> : vector<10000x128xf32>
    %dot_general3A_12 = tpu.matmul %add3A, %get3A_11, %dot_general3A {dimension_numbers = #tpu.dot_dimension_numbers<[1], [0], [0], [1], [0, 0, 1, 1], [], []>, transpose_lhs_hint = false} : vector<10000x128xf32>, vector<128x128xf32>, vector<10000x128xf32> -> vector<10000x128xf32>
    %get3A_13 = arith.constant 0 : index
    %get3A_14 = arith.constant 0 : index
    %get3A_15 = vector.load %arg2[%get3A_13, %get3A_14] : memref<1x128xf32, #tpu.memory_space<vmem>>, vector<1x128xf32>
    %add3A_16 = vector.broadcast %get3A_15 : vector<1x128xf32> to vector<10000x128xf32>
    %add3A_17 = arith.addf %dot_general3A_12, %add3A_16 : vector<10000x128xf32>
    %logistic3A = arith.negf %add3A_17 : vector<10000x128xf32>
    %logistic3A_18 = math.exp %logistic3A : vector<10000x128xf32>
    %logistic3A_19 = arith.constant 1.000000e+00 : f32
    %logistic3A_20 = vector.broadcast %logistic3A_19 : f32 to vector<10000x128xf32>
    %logistic3A_21 = arith.addf %logistic3A_20, %logistic3A_18 : vector<10000x128xf32>
    %logistic3A_22 = arith.divf %logistic3A_20, %logistic3A_21 : vector<10000x128xf32>
    %mul3A = arith.mulf %add3A_17, %logistic3A_22 : vector<10000x128xf32>
    %swap3A = arith.constant 0 : index
    %swap3A_23 = arith.constant 0 : index
    %swap3A_24 = vector.load %arg3[%swap3A, %swap3A_23] : memref<10000x128xf32, #tpu.memory_space<vmem>>, vector<10000x128xf32>
    tpu.vector_store %arg3[%swap3A, %swap3A_23], %mul3A {strides = array<i32>} : memref<10000x128xf32, #tpu.memory_space<vmem>>, vector<10000x128xf32>,
    return
  }
}

</mosaic_0001>

<sc_bundles>
// kernel: kernel.7.cloned.1.call-start
scs
__scs_entry_jumppad:
0x0: {  	(pc) =	sbr.rel $0x88, $3  }
0x1: {  	(tag) =	ssettag $0x0;
	lr =	simm.s32 $0x1  }
0x2: {  	[smem:$0x3F98] =	sst lr;
	_ =	strace $0xD0000000  }
0x3: {  	_ = 	snop  }
0x4: {  	_ = 	snop  }
0x5: {  	_ = 	snop  }
0x6: {  	_ = 	snop  }
0x7: {  	_ = 	snop  }
__scs_overlays_trampoline_lowered:
0x8: {  	[smem:$0x3FA7] =	sst s0  }
0x9: {  	[smem:$0x3FA8] =	sst s1  }
0xa: {  	[smem:$0x3FA9] =	sst s2  }
0xb: {  	[smem:$0x3FAA] =	sst s3  }
0xc: {  	[smem:$0x3FAB] =	sst s4  }
0xd: {  	[smem:$0x3FAC] =	sst s5  }
0xe: {  	[smem:$0x3FAD] =	sst s6  }
0xf: {  	[smem:$0x3FAE] =	sst s7  }
0x10: {  	[smem:$0x3FAF] =	sst s8  }
0x11: {  	[smem:$0x3FB0] =	sst s9;
	s0 =	simm.s32 @!p0 $0x0  }
0x12: {  	s1 =	sld [smem:$0x3F96];
	s0 =	simm.s32 @p0 $0x1  }
0x13: {  	[smem:$0x3FB1] =	sst s0;
	s0 =	simm.s32 @!p1 $0x0  }
0x14: {  	s2 =	sld [smem:$0x3F95];
	s0 =	simm.s32 @p1 $0x1  }
0x15: {  	[smem:$0x3FB2] =	sst s0;
	s0 =	simm.s32 @!p2 $0x0  }
0x16: {  	s3 =	sld [smem:$0x3FDB];
	s0 =	simm.s32 @p2 $0x1  }
0x17: {  	s4 =	simm.s32 $0x1BF5;
	[smem:$0x3FB4] =	sst s0  }
0x18: {  	s0 =	sld [smem:$0x3F97];
	_ =	swait.ge [sflag:s4], $0x0  }
0x19: {  	s7 =	sld [smem:$0x3F98]  }
0x1a: {  	s8 =	sadd.s32 $0xFFFFE003, lr  }
0x1b: {  	s9 =	sadd.s32 $0xFFFFFEF7, lr;
	s5 =	simm.s32 $0xFFFFFFFF;
	p2 =	slt.u32 s8, $0xFFFFF086  }
0x1c: {  	p1 =	slt.u32 s9, $0xF7A;
	s5 =	simm.s32 @!p2 $0x0  }
0x1d: {  	s5 =	simm.s32 @p1 $0x1;
	p0 =	seq.s32 s7, s2  }
0x1e: {  	s7 =	smul.u32 @!p0 $0xF7A, s2;
	p2 =	seq.s32 @!p0 s5, $0x0  }
0x1f: {  	s9 =	smul.u32 $0xF7A, s1;
	s8 =	simm.s32 @!p0 $0x1BF5;
	p2 =	por !p2, p0  }
0x20: {  	[sflag:s8] =	ssyncset.s32 @!p0 $0xFFFFF086;
	s6 =	sadd.s32 @!p0 s3, s7;
	s7 =	simm.s32 @!p0 $0x108  }
0x21: {  	s3 =	sadd.s32 s3, s9;
	s6 =	sadd.s32 @!p0 $0x88, s6;
	s7 =	simm.s32 @p2 $0x1082  }
0x22: {  	[simem:s7], [sflag:s8] =	dma.local @!p0 [hbm:s6], $0xF7A  }
0x23: {  	s9 =	sor.u32 $0xD0000000, s2;
	s6 =	simm.s32 $0x108;
	_ =	swait.ge @!p0 [sflag:s8], $0x0  }
0x24: {  	s3 =	sadd.s32 $0x88, s3;
	s6 =	simm.s32 @!p1 $0x1082;
	[sflag:s4] =	ssyncset.s32 $0xFFFFF086  }
0x25: {  	[simem:s6], [sflag:s4] =	dma.local [hbm:s3], $0xF7A  }
0x26: {  	[smem:$0x3F98] =	sst s1;
	(tag) =	ssettag s2;
	_ =	strace s9  }
0x27: {  	s1 =	sld [smem:$0x3FA8]  }
0x28: {  	s2 =	sld [smem:$0x3FA9]  }
0x29: {  	s4 =	sld [smem:$0x3FAB]  }
0x2a: {  	p0 =	seq.s32 s5, $0x0;
	s5 =	sld [smem:$0x3FAC]  }
0x2b: {  	s6 =	sld [smem:$0x3FAD]  }
0x2c: {  	s7 =	sld [smem:$0x3FAE]  }
0x2d: {  	s3 =	simm.s32 $0x108;
	s8 =	sld [smem:$0x3FAF]  }
0x2e: {  	s3 =	simm.s32 @!p0 $0x1082;
	s9 =	sld [smem:$0x3FB0]  }
0x2f: {  	lr =	sadd.s32 s0, s3;
	s0 =	sld [smem:$0x3FA7]  }
0x30: {  	s3 =	sld [smem:$0x3FAA]  }
0x31: {  	[smem:$0x3FB3] =	sst s10  }
0x32: {  	s10 =	sld [smem:$0x3FB1];
	_ =	sdelay $0x3  }
0x33: {  	p0 =	seq.s32 s10, $0x1;
	s10 =	sld [smem:$0x3FB3];
	_ =	sdelay $0x3  }
0x34: {  	[smem:$0x3FB3] =	sst s10  }
0x35: {  	s10 =	sld [smem:$0x3FB2];
	_ =	sdelay $0x3  }
0x36: {  	p1 =	seq.s32 s10, $0x1;
	s10 =	sld [smem:$0x3FB3];
	_ =	sdelay $0x3  }
0x37: {  	[smem:$0x3FB3] =	sst s10  }
0x38: {  	s10 =	sld [smem:$0x3FB4]  }
0x39: {  	_ = 	snop;
	(pc) =	sbr.ind lr, $3  }
0x3a: {  	_ = 	snop  }
0x3b: {  	_ = 	snop  }
0x3c: {  	p2 =	seq.s32 s10, $0x1;
	s10 =	sld [smem:$0x3FB3]  }
0x3d: {  	_ =	shalt  }
0x3e: {  	_ =	shalt  }
0x3f: {  	_ =	shalt  }
0x40: {  	_ =	shalt  }
0x41: {  	_ =	shalt  }
0x42: {  	_ =	shalt  }
0x43: {  	_ =	shalt  }
0x44: {  	_ =	shalt  }
0x45: {  	_ =	shalt  }
0x46: {  	_ =	shalt  }
0x47: {  	_ =	shalt  }
0x48: {  	_ =	shalt  }
0x49: {  	_ =	shalt  }
0x4a: {  	_ =	shalt  }
0x4b: {  	_ =	shalt  }
0x4c: {  	_ =	shalt  }
0x4d: {  	_ =	shalt  }
0x4e: {  	_ =	shalt  }
0x4f: {  	_ =	shalt  }
0x50: {  	_ =	shalt  }
0x51: {  	_ =	shalt  }
0x52: {  	_ =	shalt  }
0x53: {  	_ =	shalt  }
0x54: {  	_ =	shalt  }
0x55: {  	_ =	shalt  }
0x56: {  	_ =	shalt  }
0x57: {  	_ =	shalt  }
0x58: {  	_ =	shalt  }
0x59: {  	_ =	shalt  }
0x5a: {  	_ =	shalt  }
0x5b: {  	_ =	shalt  }
0x5c: {  	_ =	shalt  }
0x5d: {  	_ =	shalt  }
0x5e: {  	_ =	shalt  }
0x5f: {  	_ =	shalt  }
0x60: {  	_ =	shalt  }
0x61: {  	_ =	shalt  }
0x62: {  	_ =	shalt  }
0x63: {  	_ =	shalt  }
0x64: {  	_ =	shalt  }
0x65: {  	_ =	shalt  }
0x66: {  	_ =	shalt  }
0x67: {  	_ =	shalt  }
0x68: {  	_ =	shalt  }
0x69: {  	_ =	shalt  }
0x6a: {  	_ =	shalt  }
0x6b: {  	_ =	shalt  }
0x6c: {  	_ =	shalt  }
0x6d: {  	_ =	shalt  }
0x6e: {  	_ =	shalt  }
0x6f: {  	_ =	shalt  }
0x70: {  	_ =	shalt  }
0x71: {  	_ =	shalt  }
0x72: {  	_ =	shalt  }
0x73: {  	_ =	shalt  }
0x74: {  	_ =	shalt  }
0x75: {  	_ =	shalt  }
0x76: {  	_ =	shalt  }
0x77: {  	_ =	shalt  }
0x78: {  	_ =	shalt  }
0x79: {  	_ =	shalt  }
0x7a: {  	_ =	shalt  }
0x7b: {  	_ =	shalt  }
0x7c: {  	_ =	shalt  }
0x7d: {  	_ =	shalt  }
0x7e: {  	_ =	shalt  }
0x7f: {  	_ =	shalt  }
0x80: {  	_ =	shalt  }
0x81: {  	_ =	shalt  }
0x82: {  	_ =	shalt  }
0x83: {  	_ =	shalt  }
0x84: {  	_ =	shalt  }
0x85: {  	_ =	shalt  }
0x86: {  	_ =	shalt  }
0x87: {  	_ =	shalt  }
.Lfunc_end0:
.L_simem_size_0:
called_computation_lowered:
.L_overlay_start_0:
0x88: {  	s2 =	sld [smem:$0x3FD9]  }
0x89: {  	s3 =	sld [smem:$0x3FFE];
	_ =	sdelay $0x1  }
0x8a: {  	s1 =	srdreg.scid  }
0x8b: {  	s0 =	sand.u32 $0x1, s1  }
0x8c: {  	s17 =	sshll.u32 s0, $0xA;
	s2 =	sadd.s32 s3, s2  }
0x8d: {  	s2 =	sadd.s32 s2, s17  }
0x8e: {  	[smem:$0x3FBF] =	sst s2  }
0x8f: {  	_ = 	snop  }
0x90: {  	s2 =	sld [smem:$0x3FD0];
	(tm) =	ssettm $0x1  }
0x91: {  	s18 =	sld [smem:$0x3FFB];
	_ =	sdelay $0x3  }
0x92: {  	_ =	strace s18  }
0x93: {  	s3 =	sld [smem:$0x3FFC];
	_ =	sdelay $0x3  }
0x94: {  	_ =	strace s3  }
0x95: {  	s3 =	sld [smem:$0x3FFD];
	_ =	sdelay $0x3  }
0x96: {  	_ =	strace s3  }
0x97: {  	_ =	strace $0x8FFFFFFF  }
0x98: {  	s19 =	sld [smem:$0x3FDB];
	_ =	sdelay $0x1  }
0x99: {  	s4 =	simm.s32 $_scs_section_size  }
0x9a: {  	s5 =	simm.s32 $_size__tile_overlayer_lowered;
	s6 =	simm.s32 $_tile_overlayer_lowered  }
0x9b: {  	s22 =	simm.s32 $0x1BFF;
	s21 =	sshll.u32 s6, $0x1;
	s3 =	sadd.s32 s4, s19  }
0x9c: {  	s7 =	simm.s32 $0x0;
	s20 =	sshll.u32 s5, $0x1;
	s5 =	sadd.s32 s21, s3  }
0x9d: {  	[timem:s7], [sflag:s22] =	dma.local [hbm:s5], s20  }
0x9e: {  	_ =	swait.ge [sflag:s22], s20  }
0x9f: {  	s4 =	ssub.s32 $0x0, s20;
	[sflag:s22] =	ssyncset.done $0x0  }
0xa0: {  	[sflag:s22] =	ssyncadd.s32 s4;
	_ =	sdelay $0x1  }
0xa1: {  	s23 =	simm.s32 $0x1B8B  }
0xa2: {  	_ =	swait.ge [sflag:s23], $0x1  }
0xa3: {  	[sflag:s23] =	ssyncset.done $0x0  }
0xa4: {  	s25 =	simm.s32 $0x1B8E;
	s24 =	sld [smem:$0x3FFE];
	[sflag:s23] =	ssyncadd.s32 $0xFFFFFFFF  }
0xa5: {  	s26 =	simm.s32 $execute0_lowered;
	[smem:$0x3FD2] =	sst s25  }
0xa6: {  	s5 =	sshll.u32 s26, $0x1;
	_ =	strace $0x80000046;
	[dreg:$0x1] =	wrdreg $0xFFFFFFFF  }
0xa7: {  	s28 =	simm.s32 $_size_execute0_lowered;
	s3 =	sadd.s32 s3, s5;
	[dreg:$0x0] =	wrdreg $0x0  }
0xa8: {  	s5 =	sshll.u32 s28, $0x1;
	[dreg:$0x2] =	wrdreg s3  }
0xa9: {  	[dreg:$0x3] =	wrdreg s5  }
0xaa: {  	[dreg:$0x4] =	wrdreg $0xC0  }
0xab: {  	_ =	task [dreg:s7], $0x5FFFF  }
0xac: {  	[dreg:$0x1] =	wrdreg $0xFFFFFFFF  }
0xad: {  	[dreg:$0x0] =	wrdreg $0x60  }
0xae: {  	[dreg:$0x2] =	wrdreg s2  }
0xaf: {  	[dreg:$0x3] =	wrdreg s24  }
0xb0: {  	[dreg:$0x4] =	wrdreg $0xAB000  }
0xb1: {  	[dreg:$0x5] =	wrdreg $0x9  }
0xb2: {  	_ =	task.clear_ibuf [dreg:s7], $0x6FFFF;
	_ =	strace $0x90000046  }
0xb3: {  	s29 =	simm.s32 $0x9;
	_ =	strace $0x80000048  }
0xb4: {  	_ =	swait.ge [sflag:s29], $0x1  }
0xb5: {  	[sflag:s29] =	ssyncadd.s32 $0xFFFFFFFF  }
0xb6: {  	_ =	strace $0x90000048  }
0xb7: {  	_ =	sfence  }
0xb8: {  	s30 =	sld [smem:$0x0];
	_ =	sdelay $0x2  }
0xb9: {  	s31 =	sshll.u32 s1, $0xD;
	s1 =	sshrl.u32 s1, $0x2  }
0xba: {  	s3 =	sand.u32 $0x4000, s31;
	s1 =	sadd.s32 s1, s30  }
0xbb: {  	s0 =	sor.u32 s3, s0;
	s1 =	sshll.u32 s1, $0x11  }
0xbc: {  	s0 =	sor.u32 s1, s0  }
0xbd: {  	s0 =	sadd.s32 $0x8F2B, s0  }
0xbe: {  	[sflag:s0] =	ssyncadd.remote.s32 $0x1  }
0xbf: {  	_ =	sfence.sel $0xFFFF  }
0xc0: {  	[dreg:$0x0] =	wrdreg $0xFFFFFFFF;
	(pc) =	sbr.abs _section_cstart, $3  }
0xc1: {  	[dreg:$0x1] =	wrdreg $0xFFFFFFFF  }
0xc2: {  	_ =	task.clear_ibuf [dreg:s7], $0x2FFFF;
	_ =	strace $0x9FFFFFFF  }
0xc3: {  	(tm) =	ssettm $0x7FFFFFFF  }
tec
execute0_lowered:
.L_overlay_start_1:
0x0: {  	(tag) =	ssettag $0x1  }
0x1: {  	s1 =	rddreg [dreg:$0x0]  }
0x2: {  	s0 =	rddreg [dreg:$0x1]  }
0x3: {  	s2 =	rddreg [dreg:$0x2];
	s3 =	simm.s32 $0x0  }
0x4: {  	s4 =	srdreg.scid;
	s15 =	stileid.u32;
	s28 =	simm.s32 $0xA300  }
0x5: {  	s29 =	simm.s32 $0x7;
	s30 =	simm.s32 $0x100;
	s31 =	simm.s32 $0x300  }
0x6: {  	[smem:$0x7FF] =	sst s3;
	s4 =	sand.u32 $0x1, s4;
	s8 =	smul.u32 $0x4E000, s15  }
0x7: {  	s5 =	sadd.s32 $0x15C00, s0;
	s6 =	sadd.s32 $0x2000, s0;
	s11 =	smul.u32 $0x2710, s15  }
0x8: {  	s7 =	sadd.s32 $0xBE00, s0;
	s0 =	sadd.s32 $0x4F7C00, s0;
	p0 =	sne.s32 s15, $0x0  }
0x9: {  	_ =	strace $0x80000047;
	s9 =	smul.u32 $0x27100, s4;
	s10 =	ssub.s32 $0x2, s4  }
0xa: {  	s4 =	smul.u32 $0x138800, s4;
	s12 =	sshrl.u32 s10, $0x1;
	s8 =	sshrl.u32 s8, $0x2  }
0xb: {  	s10 =	ssub.s32 s10, s12;
	s9 =	sadd.s32 s11, s9;
	s8 =	sadd.s32 s8, s2  }
0xc: {  	s11 =	sshrl.u32 s9, $0x3;
	s18 =	sadd.s32 $0x50, s9;
	s13 =	sshll.u32 s9, $0x4  }
0xd: {  	s17 =	sadd.s32 $0xF0, s9;
	s19 =	sadd.s32 s6, s11;
	s14 =	sshrl.u32 s18, $0x3  }
0xe: {  	s20 =	sadd.s32 s7, s11;
	s21 =	sadd.s32 s5, s13;
	[dreg:$0x4] =	wrdreg s19  }
0xf: {  	s24 =	sshll.u32 s18, $0x4;
	s13 =	smul.u32 $0x13800, s15;
	[dreg:$0x5] =	wrdreg s20  }
0x10: {  	s11 =	simm.s32 $0x50;
	[dreg:$0x6] =	wrdreg s21;
	s22 =	sadd.s32 s6, s14  }
0x11: {  	s15 =	simm.s32 $0x7B00;
	s23 =	sadd.s32 s7, s14;
	[dreg:$0x7] =	wrdreg s22  }
0x12: {  	s14 =	sadd.s32 $0xA0, s9;
	s25 =	sadd.s32 s5, s24;
	[dreg:$0x8] =	wrdreg s23  }
0x13: {  	s19 =	sshrl.u32 s17, $0x3;
	s24 =	sshll.u32 s17, $0x4;
	[dreg:$0x9] =	wrdreg s25  }
0x14: {  	s26 =	sshrl.u32 s14, $0x3;
	s18 =	sshll.u32 s14, $0x4;
	s21 =	sadd.s32 s6, s19  }
0x15: {  	s9 =	sadd.s32 s13, s4;
	s22 =	sadd.s32 s7, s19;
	s4 =	sshrl.u32 s4, $0x3  }
0x16: {  	s25 =	sadd.s32 s5, s24;
	s24 =	sadd.s32 $0x138000, s2;
	[dreg:$0xd] =	wrdreg s21  }
0x17: {  	s13 =	simm.s32 $0x2;
	s19 =	simm.s32 $0x4;
	[dreg:$0xe] =	wrdreg s22  }
0x18: {  	s12 =	sadd.s32 s6, s26;
	s16 =	sadd.s32 s7, s26;
	[dreg:$0x10] =	wrdreg s25  }
0x19: {  	s20 =	sadd.s32 s5, s18;
	s9 =	sshrl.u32 s9, $0x3;
	[dreg:$0x13] =	wrdreg s24  }
0x1a: {  	s26 =	smax.u32 s10, $0x1;
	s25 =	simm.s32 $0x180;
	[dreg:$0xa] =	wrdreg s12  }
0x1b: {  	s10 =	simm.s32 $0x1;
	s18 =	simm.s32 $0x200;
	[dreg:$0xb] =	wrdreg s16  }
0x1c: {  	s21 =	simm.s32 $0x5;
	s22 =	simm.s32 $0x6;
	[dreg:$0xc] =	wrdreg s20  }
0x1d: {  	s23 =	sadd.s32 s0, s9;
	s0 =	sadd.s32 s0, s4;
	[dreg:$0x12] =	wrdreg s26  }
0x1e: {  	s26 =	simm.s32 $0x2B00;
	s12 =	simm.s32 $0x5300;
	s16 =	simm.s32 $0x3  }
0x1f: {  	s20 =	simm.s32 $0x280;
	[dreg:$0xf] =	wrdreg s23;
	s0 =	sadd.s32 $0x27000, s0  }
0x20: {  	v0 =	vimm.f32 $0.0e+00;
	s4 =	simm.s32 $0x0;
	[dreg:$0x11] =	wrdreg s0;
	s0 =	simm.s32 $0x80  }
.LBB2_1:
0x21: {  	s9 =	simm.s32 $0x0;
	s23 =	simm.s32 $0x200  }
.LBB2_2:
0x22: {  	p1 =	sne.s32 s23, $0x1E00;
	[tilespmem:s9+$0xA370] =	vst v0  }
0x23: {  	[tilespmem:s9+$0xA300] =	vst v0  }
0x24: {  	[tilespmem:s9+$0xA310] =	vst v0  }
.Ltmp0:
0x25: {  	[tilespmem:s9+$0xA320] =	vst v0;
	(pc) =	sbr.rel @p1 .LBB2_2-.Ltmp0, $4  }
0x26: {  	[tilespmem:s9+$0xA330] =	vst v0  }
0x27: {  	[tilespmem:s9+$0xA340] =	vst v0  }
0x28: {  	[tilespmem:s9+$0xA350] =	vst v0  }
0x29: {  	[tilespmem:s9+$0xA360] =	vst v0;
	s9 =	sshra.s32 s23, $0x2;
	s23 =	sadd.s32 $0x200, s23  }
0x2a: {  	[tilespmem:s9+$0xA370] =	vst v0  }
0x2b: {  	[tilespmem:s9+$0xA300] =	vst v0  }
0x2c: {  	[tilespmem:s9+$0xA310] =	vst v0  }
0x2d: {  	[tilespmem:s9+$0xA320] =	vst v0  }
0x2e: {  	[tilespmem:s9+$0xA330] =	vst v0  }
0x2f: {  	[tilespmem:s9+$0xA340] =	vst v0  }
0x30: {  	[tilespmem:s9+$0xA350] =	vst v0  }
0x31: {  	[tilespmem:s9+$0xA360] =	vst v0;
	s23 =	sadd.s32 $0x0, s8  }
0x32: {  	[spmem:s23] =	stream.linear.scatter [tilespmem:s28], [sflag:$0x7], $0x800, $0x38;
	[tilespmem:$0x1E380] =	vst v63  }
0x33: {  	s9 =	simm.s32 $0x2000;
	_ =	swait.ge [sflag:s29], $0x800  }
.LBB2_4:
0x34: {  	s23 =	sshra.s32 s9, $0x2;
	[sflag:s29] =	ssyncset.done $0x0;
	p1 =	sne.s32 s9, $0x4C000  }
.Ltmp1:
0x35: {  	s23 =	sadd.s32 s23, s8;
	[sflag:s29] =	ssyncadd.s32 $0xFFFFF800;
	(pc) =	sbr.rel @p1 .LBB2_4-.Ltmp1, $3  }
0x36: {  	[spmem:s23] =	stream.linear.scatter [tilespmem:s28], [sflag:$0x7], $0x800, $0x38;
	[tilespmem:$0x1E380] =	vst v63  }
0x37: {  	s9 =	sadd.s32 $0x2000, s9;
	_ =	sdelay $0x1  }
0x38: {  	_ =	swait.ge [sflag:s29], $0x800  }
0x39: {  	[sflag:s29] =	ssyncset.done $0x0  }
0x3a: {  	s9 =	simm.s32 @!p0 $0xA300;
	[sflag:s29] =	ssyncadd.s32 $0xFFFFF800  }
0x3b: {  	[spmem:s24] =	stream.linear.scatter @!p0 [tilespmem:s9], [sflag:$0x7], $0x800, $0x38;
	[tilespmem:$0x1E380] =	vst v63  }
0x3c: {  	s9 =	simm.s32 @!p0 $0x7  }
0x3d: {  	_ =	swait.ge @!p0 [sflag:s9], $0x800  }
0x3e: {  	[sflag:s9] =	ssyncset.done @!p0 $0x0  }
0x3f: {  	[sflag:s9] =	ssyncadd.s32 @!p0 $0xFFFFF800  }
0x40: {  	[bflag:$0x0] =	sbarrier.arrive $0xFFFF  }
0x41: {  	s9 =	simm.s32 $0x0;
	s3 =	rddreg [dreg:$0x4]  }
0x42: {  	[tilespmem:s9], [sflag:$0x1] =	stream.linear.gather [hbm4b:s3+s9], $0x50, $0x38;
	[tilespmem:$0x1E380] =	vst v63  }
0x43: {  	s24 =	rddreg [dreg:$0x5]  }
0x44: {  	[tilespmem:s30], [sflag:$0x1] =	stream.linear.gather [hbm4b:s24+s9], $0x50, $0x38;
	[tilespmem:$0x1E380] =	vst v63  }
0x45: {  	s23 =	rddreg [dreg:$0x6]  }
0x46: {  	[tilespmem:s31], [sflag:$0x1] =	stream.linear.gather [hbm4b:s23+s9], $0x2800, $0x38;
	[tilespmem:$0x1E380] =	vst v63  }
0x47: {  	s24 =	rddreg [dreg:$0x7]  }
0x48: {  	[tilespmem:s0], [sflag:$0x2] =	stream.linear.gather [hbm4b:s24+s9], $0x50, $0x38;
	[tilespmem:$0x1E380] =	vst v63  }
0x49: {  	s23 =	rddreg [dreg:$0x8]  }
0x4a: {  	[tilespmem:s25], [sflag:$0x2] =	stream.linear.gather [hbm4b:s23+s9], $0x50, $0x38;
	[tilespmem:$0x1E380] =	vst v63  }
0x4b: {  	s24 =	rddreg [dreg:$0x9]  }
0x4c: {  	[tilespmem:s26], [sflag:$0x2] =	stream.linear.gather [hbm4b:s24+s9], $0x2800, $0x38;
	[tilespmem:$0x1E380] =	vst v63  }
0x4d: {  	_ =	swait.ge [sflag:s10], $0x50  }
0x4e: {  	[sflag:s10] =	ssyncset.done $0x0  }
0x4f: {  	[sflag:s10] =	ssyncadd.s32 $0xFFFFFFB0  }
0x50: {  	_ =	swait.ge [sflag:s10], $0x50  }
0x51: {  	[sflag:s10] =	ssyncset.done $0x0  }
0x52: {  	[sflag:s10] =	ssyncadd.s32 $0xFFFFFFB0  }
0x53: {  	_ =	swait.ge [sflag:s10], $0x2800  }
0x54: {  	[sflag:s10] =	ssyncset.done $0x0  }
0x55: {  	[sflag:s10] =	ssyncadd.s32 $0xFFFFD800  }
0x56: {  	[tilespmem:s12], [sflag:$0x3] =	stream.indirect.gather [hbm4b:s1+s11], $0x80, s9, s11, $0xb8;
	[tilespmem:$0x1E380] =	vst v63  }
0x57: {  	_ =	swait.ge [sflag:s13], $0x50  }
0x58: {  	[sflag:s13] =	ssyncset.done $0x0  }
0x59: {  	[sflag:s13] =	ssyncadd.s32 $0xFFFFFFB0  }
0x5a: {  	_ =	swait.ge [sflag:s13], $0x50  }
0x5b: {  	[sflag:s13] =	ssyncset.done $0x0  }
0x5c: {  	[sflag:s13] =	ssyncadd.s32 $0xFFFFFFB0  }
0x5d: {  	_ =	swait.ge [sflag:s13], $0x2800  }
0x5e: {  	[sflag:s13] =	ssyncset.done $0x0  }
0x5f: {  	[sflag:s13] =	ssyncadd.s32 $0xFFFFD800  }
0x60: {  	[tilespmem:s15], [sflag:$0x4] =	stream.indirect.gather [hbm4b:s1+s11], $0x80, s0, s11, $0xb8;
	[tilespmem:$0x1E380] =	vst v63  }
0x61: {  	_ =	swait.ge [sflag:s16], $0x2800  }
0x62: {  	[sflag:s16] =	ssyncset.done $0x0  }
0x63: {  	s9 =	simm.s32 $0x0;
	[sflag:s16] =	ssyncadd.s32 $0xFFFFD800  }
0x64: {  	v8 =	vld [tilespmem:s9+$0x300]  }
0x65: {  	v12 =	vld [tilespmem:s9+$0x310]  }
0x66: {  	v6 =	vld [tilespmem:s9+$0x320]  }
0x67: {  	v5 =	vld [tilespmem:s9+$0x330]  }
0x68: {  	v4 =	vld [tilespmem:s9+$0x340]  }
0x69: {  	v3 =	vld [tilespmem:s9+$0x350]  }
0x6a: {  	v2 =	vld [tilespmem:s9+$0x360]  }
0x6b: {  	v1 =	vld [tilespmem:s9+$0x370]  }
0x6c: {  	v13 =	vld [tilespmem:s9+$0x5300]  }
0x6d: {  	v14 =	vld [tilespmem:s9+$0x5310]  }
0x6e: {  	v11 =	vld [tilespmem:s9+$0x5320]  }
0x6f: {  	v10 =	vld [tilespmem:s9+$0x5330]  }
0x70: {  	v9 =	vld [tilespmem:s9+$0x5340]  }
0x71: {  	v7 =	vld [tilespmem:s9+$0x5350];
	v13 =	vmul.f32 v8, v13  }
0x72: {  	s23 =	simm.s32 $0x200;
	v12 =	vmul.f32 v12, v14;
	v8 =	vld [tilespmem:s9+$0x5360]  }
.LBB2_6:
0x73: {  	s24 =	sshra.s32 s23, $0x2;
	p1 =	sne.s32 s23, $0x9E00;
	[tilespmem:s9+$0x5300] =	vst v13;
	v6 =	vmul.f32 v6, v11;
	v11 =	vld [tilespmem:s9+$0x5370]  }
0x74: {  	v13 =	vld [tilespmem:s24+$0x300];
	[tilespmem:s9+$0x5310] =	vst v12;
	v5 =	vmul.f32 v5, v10  }
0x75: {  	v12 =	vld [tilespmem:s24+$0x310];
	[tilespmem:s9+$0x5320] =	vst v6;
	v4 =	vmul.f32 v4, v9  }
0x76: {  	v6 =	vld [tilespmem:s24+$0x320];
	[tilespmem:s9+$0x5330] =	vst v5;
	v3 =	vmul.f32 v3, v7  }
0x77: {  	v5 =	vld [tilespmem:s24+$0x330];
	[tilespmem:s9+$0x5340] =	vst v4;
	v2 =	vmul.f32 v2, v8  }
0x78: {  	v4 =	vld [tilespmem:s24+$0x340];
	[tilespmem:s9+$0x5350] =	vst v3;
	v1 =	vmul.f32 v1, v11  }
0x79: {  	v3 =	vld [tilespmem:s24+$0x350];
	[tilespmem:s9+$0x5360] =	vst v2  }
0x7a: {  	v2 =	vld [tilespmem:s24+$0x360];
	[tilespmem:s9+$0x5370] =	vst v1;
	s9 =	smov.u32 s24  }
0x7b: {  	v1 =	vld [tilespmem:s9+$0x370]  }
0x7c: {  	v7 =	vld [tilespmem:s9+$0x5300]  }
0x7d: {  	v8 =	vld [tilespmem:s9+$0x5310]  }
.Ltmp2:
0x7e: {  	v11 =	vld [tilespmem:s9+$0x5320];
	(pc) =	sbr.rel @p1 .LBB2_6-.Ltmp2, $4  }
0x7f: {  	v10 =	vld [tilespmem:s9+$0x5330]  }
0x80: {  	v9 =	vld [tilespmem:s9+$0x5340]  }
0x81: {  	v13 =	vmul.f32 v13, v7;
	v7 =	vld [tilespmem:s9+$0x5350]  }
0x82: {  	s23 =	sadd.s32 $0x200, s23;
	v12 =	vmul.f32 v12, v8;
	v8 =	vld [tilespmem:s9+$0x5360]  }
0x83: {  	[tilespmem:s9+$0x5300] =	vst v13;
	v6 =	vmul.f32 v6, v11;
	v11 =	vld [tilespmem:s9+$0x5370]  }
0x84: {  	[tilespmem:s9+$0x5310] =	vst v12;
	v5 =	vmul.f32 v5, v10  }
0x85: {  	[tilespmem:s9+$0x5320] =	vst v6;
	v4 =	vmul.f32 v4, v9  }
0x86: {  	[tilespmem:s9+$0x5330] =	vst v5;
	v3 =	vmul.f32 v3, v7  }
0x87: {  	[tilespmem:s9+$0x5340] =	vst v4;
	v2 =	vmul.f32 v2, v8  }
0x88: {  	[tilespmem:s9+$0x5350] =	vst v3;
	v1 =	vmul.f32 v1, v11  }
0x89: {  	[tilespmem:s9+$0x5360] =	vst v2  }
0x8a: {  	[tilespmem:s9+$0x5370] =	vst v1  }
0x8b: {  	v1 =	vld [tilespmem:$0x100]  }
0x8c: {  	v2 =	vld [tilespmem:$0x110]  }
0x8d: {  	v3 =	vld [tilespmem:$0x120]  }
0x8e: {  	v4 =	vld [tilespmem:$0x130]  }
0x8f: {  	v5 =	vld [tilespmem:$0x140]  }
0x90: {  	[tilespmem:$0x200] =	vst v1  }
0x91: {  	[tilespmem:$0x210] =	vst v2  }
0x92: {  	[tilespmem:$0x220] =	vst v3  }
0x93: {  	[tilespmem:$0x230] =	vst v4  }
0x94: {  	[tilespmem:$0x240] =	vst v5  }
0x95: {  	[spmem:s2] =	stream.indirect.scatter.add.f32 [tilespmem:s12], [sflag:$0x5], $0x80, s18, s11, $0xb8;
	[tilespmem:$0x1E380] =	vst v63  }
0x96: {  	s3 =	rddreg [dreg:$0xa];
	s9 =	simm.s32 $0x0  }
0x97: {  	[tilespmem:s9], [sflag:$0x1] =	stream.linear.gather [hbm4b:s3+s9], $0x50, $0x38;
	[tilespmem:$0x1E380] =	vst v63  }
0x98: {  	s23 =	rddreg [dreg:$0xb]  }
0x99: {  	[tilespmem:s30], [sflag:$0x1] =	stream.linear.gather [hbm4b:s23+s9], $0x50, $0x38;
	[tilespmem:$0x1E380] =	vst v63  }
0x9a: {  	s24 =	rddreg [dreg:$0xc]  }
0x9b: {  	[tilespmem:s31], [sflag:$0x1] =	stream.linear.gather [hbm4b:s24+s9], $0x2800, $0x38;
	[tilespmem:$0x1E380] =	vst v63  }
0x9c: {  	_ =	swait.ge [sflag:s19], $0x2800  }
0x9d: {  	[sflag:s19] =	ssyncset.done $0x0  }
0x9e: {  	s9 =	simm.s32 $0x0;
	[sflag:s19] =	ssyncadd.s32 $0xFFFFD800  }
0x9f: {  	v8 =	vld [tilespmem:s9+$0x2B00]  }
0xa0: {  	v12 =	vld [tilespmem:s9+$0x2B10]  }
0xa1: {  	v6 =	vld [tilespmem:s9+$0x2B20]  }
0xa2: {  	v5 =	vld [tilespmem:s9+$0x2B30]  }
0xa3: {  	v4 =	vld [tilespmem:s9+$0x2B40]  }
0xa4: {  	v3 =	vld [tilespmem:s9+$0x2B50]  }
0xa5: {  	v2 =	vld [tilespmem:s9+$0x2B60]  }
0xa6: {  	v1 =	vld [tilespmem:s9+$0x2B70]  }
0xa7: {  	v13 =	vld [tilespmem:s9+$0x7B00]  }
0xa8: {  	v14 =	vld [tilespmem:s9+$0x7B10]  }
0xa9: {  	v11 =	vld [tilespmem:s9+$0x7B20]  }
0xaa: {  	v10 =	vld [tilespmem:s9+$0x7B30]  }
0xab: {  	v9 =	vld [tilespmem:s9+$0x7B40]  }
0xac: {  	v7 =	vld [tilespmem:s9+$0x7B50];
	v13 =	vmul.f32 v8, v13  }
0xad: {  	s23 =	simm.s32 $0x200;
	v12 =	vmul.f32 v12, v14;
	v8 =	vld [tilespmem:s9+$0x7B60]  }
.LBB2_8:
0xae: {  	s24 =	sshra.s32 s23, $0x2;
	p1 =	sne.s32 s23, $0x9E00;
	[tilespmem:s9+$0x7B00] =	vst v13;
	v6 =	vmul.f32 v6, v11;
	v11 =	vld [tilespmem:s9+$0x7B70]  }
0xaf: {  	v13 =	vld [tilespmem:s24+$0x2B00];
	[tilespmem:s9+$0x7B10] =	vst v12;
	v5 =	vmul.f32 v5, v10  }
0xb0: {  	v12 =	vld [tilespmem:s24+$0x2B10];
	[tilespmem:s9+$0x7B20] =	vst v6;
	v4 =	vmul.f32 v4, v9  }
0xb1: {  	v6 =	vld [tilespmem:s24+$0x2B20];
	[tilespmem:s9+$0x7B30] =	vst v5;
	v3 =	vmul.f32 v3, v7  }
0xb2: {  	v5 =	vld [tilespmem:s24+$0x2B30];
	[tilespmem:s9+$0x7B40] =	vst v4;
	v2 =	vmul.f32 v2, v8  }
0xb3: {  	v4 =	vld [tilespmem:s24+$0x2B40];
	[tilespmem:s9+$0x7B50] =	vst v3;
	v1 =	vmul.f32 v1, v11  }
0xb4: {  	v3 =	vld [tilespmem:s24+$0x2B50];
	[tilespmem:s9+$0x7B60] =	vst v2  }
0xb5: {  	v2 =	vld [tilespmem:s24+$0x2B60];
	[tilespmem:s9+$0x7B70] =	vst v1;
	s9 =	smov.u32 s24  }
0xb6: {  	v1 =	vld [tilespmem:s9+$0x2B70]  }
0xb7: {  	v7 =	vld [tilespmem:s9+$0x7B00]  }
0xb8: {  	v8 =	vld [tilespmem:s9+$0x7B10]  }
.Ltmp3:
0xb9: {  	v11 =	vld [tilespmem:s9+$0x7B20];
	(pc) =	sbr.rel @p1 .LBB2_8-.Ltmp3, $4  }
0xba: {  	v10 =	vld [tilespmem:s9+$0x7B30]  }
0xbb: {  	v9 =	vld [tilespmem:s9+$0x7B40]  }
0xbc: {  	v13 =	vmul.f32 v13, v7;
	v7 =	vld [tilespmem:s9+$0x7B50]  }
0xbd: {  	s23 =	sadd.s32 $0x200, s23;
	v12 =	vmul.f32 v12, v8;
	v8 =	vld [tilespmem:s9+$0x7B60]  }
0xbe: {  	[tilespmem:s9+$0x7B00] =	vst v13;
	v6 =	vmul.f32 v6, v11;
	v63 =	vld [tilespmem:s9+$0x7B70]  }
0xbf: {  	[tilespmem:s9+$0x7B10] =	vst v12;
	v5 =	vmul.f32 v5, v10  }
0xc0: {  	[tilespmem:s9+$0x7B20] =	vst v6;
	v4 =	vmul.f32 v4, v9  }
0xc1: {  	[tilespmem:s9+$0x7B30] =	vst v5;
	v3 =	vmul.f32 v3, v7  }
0xc2: {  	[tilespmem:s9+$0x7B40] =	vst v4;
	v2 =	vmul.f32 v2, v8  }
0xc3: {  	[tilespmem:s9+$0x7B50] =	vst v3;
	v1 =	vmul.f32 v1, v63  }
0xc4: {  	[tilespmem:s9+$0x7B60] =	vst v2  }
0xc5: {  	[tilespmem:s9+$0x7B70] =	vst v1  }
0xc6: {  	v1 =	vld [tilespmem:$0x180]  }
0xc7: {  	v2 =	vld [tilespmem:$0x190]  }
0xc8: {  	v3 =	vld [tilespmem:$0x1A0]  }
0xc9: {  	v4 =	vld [tilespmem:$0x1B0]  }
0xca: {  	v5 =	vld [tilespmem:$0x1C0]  }
0xcb: {  	[tilespmem:$0x280] =	vst v1  }
0xcc: {  	[tilespmem:$0x290] =	vst v2  }
0xcd: {  	[tilespmem:$0x2A0] =	vst v3  }
0xce: {  	[tilespmem:$0x2B0] =	vst v4  }
0xcf: {  	[tilespmem:$0x2C0] =	vst v5  }
0xd0: {  	[spmem:s2] =	stream.indirect.scatter.add.f32 [tilespmem:s15], [sflag:$0x6], $0x80, s20, s11, $0xb8;
	[tilespmem:$0x1E380] =	vst v63  }
0xd1: {  	s3 =	simm.s32 $0x0;
	s23 =	rddreg [dreg:$0xd]  }
0xd2: {  	[tilespmem:s0], [sflag:$0x2] =	stream.linear.gather [hbm4b:s23+s3], $0x50, $0x38;
	[tilespmem:$0x1E380] =	vst v63  }
0xd3: {  	s24 =	rddreg [dreg:$0xe]  }
0xd4: {  	[tilespmem:s25], [sflag:$0x2] =	stream.linear.gather [hbm4b:s24+s3], $0x50, $0x38;
	[tilespmem:$0x1E380] =	vst v63  }
0xd5: {  	s9 =	simm.s32 $0x1;
	s25 =	rddreg [dreg:$0x10]  }
0xd6: {  	[tilespmem:s26], [sflag:$0x2] =	stream.linear.gather [hbm4b:s25+s3], $0x2800, $0x38;
	[tilespmem:$0x1E380] =	vst v63  }
.LBB2_10:
0xd7: {  	_ =	swait.ge [sflag:s10], $0x50  }
0xd8: {  	[sflag:s10] =	ssyncset.done $0x0  }
0xd9: {  	[sflag:s10] =	ssyncadd.s32 $0xFFFFFFB0  }
0xda: {  	_ =	swait.ge [sflag:s10], $0x50  }
0xdb: {  	[sflag:s10] =	ssyncset.done $0x0  }
0xdc: {  	[sflag:s10] =	ssyncadd.s32 $0xFFFFFFB0  }
0xdd: {  	_ =	swait.ge [sflag:s10], $0x2800  }
0xde: {  	[sflag:s10] =	ssyncset.done $0x0  }
0xdf: {  	[sflag:s10] =	ssyncadd.s32 $0xFFFFD800  }
0xe0: {  	_ =	swait.ge [sflag:s21], $0x2800  }
0xe1: {  	[sflag:s21] =	ssyncset.done $0x0  }
0xe2: {  	s23 =	simm.s32 $0x0;
	[sflag:s21] =	ssyncadd.s32 $0xFFFFD800  }
0xe3: {  	[tilespmem:s12], [sflag:$0x3] =	stream.indirect.gather [hbm4b:s1+s11], $0x80, s23, s11, $0xb8;
	[tilespmem:$0x1E380] =	vst v63  }
0xe4: {  	_ =	swait.ge [sflag:s13], $0x50  }
0xe5: {  	[sflag:s13] =	ssyncset.done $0x0  }
0xe6: {  	[sflag:s13] =	ssyncadd.s32 $0xFFFFFFB0  }
0xe7: {  	_ =	swait.ge [sflag:s13], $0x50  }
0xe8: {  	[sflag:s13] =	ssyncset.done $0x0  }
0xe9: {  	[sflag:s13] =	ssyncadd.s32 $0xFFFFFFB0  }
0xea: {  	_ =	swait.ge [sflag:s13], $0x2800  }
0xeb: {  	[sflag:s13] =	ssyncset.done $0x0  }
0xec: {  	[sflag:s13] =	ssyncadd.s32 $0xFFFFD800  }
0xed: {  	_ =	swait.ge [sflag:s22], $0x2800  }
0xee: {  	[sflag:s22] =	ssyncset.done $0x0  }
0xef: {  	[sflag:s22] =	ssyncadd.s32 $0xFFFFD800  }
0xf0: {  	[tilespmem:s15], [sflag:$0x4] =	stream.indirect.gather [hbm4b:s1+s11], $0x80, s0, s11, $0xb8;
	[tilespmem:$0x1E380] =	vst v63  }
0xf1: {  	_ =	swait.ge [sflag:s16], $0x2800  }
0xf2: {  	[sflag:s16] =	ssyncset.done $0x0  }
0xf3: {  	s23 =	simm.s32 $0x0;
	[sflag:s16] =	ssyncadd.s32 $0xFFFFD800  }
0xf4: {  	v8 =	vld [tilespmem:s23+$0x300]  }
0xf5: {  	v12 =	vld [tilespmem:s23+$0x310]  }
0xf6: {  	v6 =	vld [tilespmem:s23+$0x320]  }
0xf7: {  	v5 =	vld [tilespmem:s23+$0x330]  }
0xf8: {  	v4 =	vld [tilespmem:s23+$0x340]  }
0xf9: {  	v3 =	vld [tilespmem:s23+$0x350]  }
0xfa: {  	v2 =	vld [tilespmem:s23+$0x360]  }
0xfb: {  	v1 =	vld [tilespmem:s23+$0x370]  }
0xfc: {  	v13 =	vld [tilespmem:s23+$0x5300]  }
0xfd: {  	v14 =	vld [tilespmem:s23+$0x5310]  }
0xfe: {  	v11 =	vld [tilespmem:s23+$0x5320]  }
0xff: {  	v10 =	vld [tilespmem:s23+$0x5330]  }
0x100: {  	v9 =	vld [tilespmem:s23+$0x5340]  }
0x101: {  	v7 =	vld [tilespmem:s23+$0x5350];
	v13 =	vmul.f32 v8, v13  }
0x102: {  	s24 =	simm.s32 $0x200;
	v12 =	vmul.f32 v12, v14;
	v8 =	vld [tilespmem:s23+$0x5360]  }
.LBB2_11:
0x103: {  	s25 =	sshra.s32 s24, $0x2;
	p1 =	sne.s32 s24, $0x9E00;
	[tilespmem:s23+$0x5300] =	vst v13;
	v6 =	vmul.f32 v6, v11;
	v11 =	vld [tilespmem:s23+$0x5370]  }
0x104: {  	v13 =	vld [tilespmem:s25+$0x300];
	[tilespmem:s23+$0x5310] =	vst v12;
	v5 =	vmul.f32 v5, v10  }
0x105: {  	v12 =	vld [tilespmem:s25+$0x310];
	[tilespmem:s23+$0x5320] =	vst v6;
	v4 =	vmul.f32 v4, v9  }
0x106: {  	v6 =	vld [tilespmem:s25+$0x320];
	[tilespmem:s23+$0x5330] =	vst v5;
	v3 =	vmul.f32 v3, v7  }
0x107: {  	v5 =	vld [tilespmem:s25+$0x330];
	[tilespmem:s23+$0x5340] =	vst v4;
	v2 =	vmul.f32 v2, v8  }
0x108: {  	v4 =	vld [tilespmem:s25+$0x340];
	[tilespmem:s23+$0x5350] =	vst v3;
	v1 =	vmul.f32 v1, v11  }
0x109: {  	v3 =	vld [tilespmem:s25+$0x350];
	[tilespmem:s23+$0x5360] =	vst v2  }
0x10a: {  	v2 =	vld [tilespmem:s25+$0x360];
	[tilespmem:s23+$0x5370] =	vst v1;
	s23 =	smov.u32 s25  }
0x10b: {  	v1 =	vld [tilespmem:s23+$0x370]  }
0x10c: {  	v7 =	vld [tilespmem:s23+$0x5300]  }
0x10d: {  	v8 =	vld [tilespmem:s23+$0x5310]  }
.Ltmp4:
0x10e: {  	v11 =	vld [tilespmem:s23+$0x5320];
	(pc) =	sbr.rel @p1 .LBB2_11-.Ltmp4, $4  }
0x10f: {  	v10 =	vld [tilespmem:s23+$0x5330]  }
0x110: {  	v9 =	vld [tilespmem:s23+$0x5340]  }
0x111: {  	v13 =	vmul.f32 v13, v7;
	v7 =	vld [tilespmem:s23+$0x5350]  }
0x112: {  	s24 =	sadd.s32 $0x200, s24;
	v12 =	vmul.f32 v12, v8;
	v8 =	vld [tilespmem:s23+$0x5360]  }
0x113: {  	[tilespmem:s23+$0x5300] =	vst v13;
	v6 =	vmul.f32 v6, v11;
	v11 =	vld [tilespmem:s23+$0x5370]  }
0x114: {  	[tilespmem:s23+$0x5310] =	vst v12;
	v5 =	vmul.f32 v5, v10  }
0x115: {  	[tilespmem:s23+$0x5320] =	vst v6;
	v4 =	vmul.f32 v4, v9  }
0x116: {  	[tilespmem:s23+$0x5330] =	vst v5;
	v3 =	vmul.f32 v3, v7  }
0x117: {  	[tilespmem:s23+$0x5340] =	vst v4;
	v2 =	vmul.f32 v2, v8  }
0x118: {  	[tilespmem:s23+$0x5350] =	vst v3;
	v1 =	vmul.f32 v1, v11  }
0x119: {  	[tilespmem:s23+$0x5360] =	vst v2  }
0x11a: {  	[tilespmem:s23+$0x5370] =	vst v1  }
0x11b: {  	v1 =	vld [tilespmem:$0x100]  }
0x11c: {  	v2 =	vld [tilespmem:$0x110]  }
0x11d: {  	v3 =	vld [tilespmem:$0x120]  }
0x11e: {  	v4 =	vld [tilespmem:$0x130]  }
0x11f: {  	v5 =	vld [tilespmem:$0x140]  }
0x120: {  	[tilespmem:$0x200] =	vst v1  }
0x121: {  	s23 =	smul.u32 $0xA0, s9;
	[tilespmem:$0x210] =	vst v2  }
0x122: {  	[tilespmem:$0x220] =	vst v3  }
0x123: {  	s24 =	sadd.s32 s23, s14;
	[tilespmem:$0x230] =	vst v4  }
0x124: {  	s25 =	sshrl.u32 s24, $0x3;
	[tilespmem:$0x240] =	vst v5  }
0x125: {  	[spmem:s2] =	stream.indirect.scatter.add.f32 [tilespmem:s12], [sflag:$0x5], $0x80, s18, s11, $0xb8;
	[tilespmem:$0x1E380] =	vst v63  }
0x126: {  	s26 =	simm.s32 $0x0;
	s3 =	sadd.s32 s6, s25  }
0x127: {  	[tilespmem:s26], [sflag:$0x1] =	stream.linear.gather [hbm4b:s3+s26], $0x50, $0x38;
	[tilespmem:$0x1E380] =	vst v63  }
0x128: {  	s25 =	sadd.s32 s7, s25  }
0x129: {  	[tilespmem:s30], [sflag:$0x1] =	stream.linear.gather [hbm4b:s25+s26], $0x50, $0x38;
	[tilespmem:$0x1E380] =	vst v63  }
0x12a: {  	s25 =	sshll.u32 s24, $0x4  }
0x12b: {  	s3 =	sadd.s32 s5, s25  }
0x12c: {  	[tilespmem:s31], [sflag:$0x1] =	stream.linear.gather [hbm4b:s3+s26], $0x2800, $0x38;
	[tilespmem:$0x1E380] =	vst v63  }
0x12d: {  	_ =	swait.ge [sflag:s19], $0x2800  }
0x12e: {  	[sflag:s19] =	ssyncset.done $0x0  }
0x12f: {  	s24 =	simm.s32 $0x0;
	[sflag:s19] =	ssyncadd.s32 $0xFFFFD800  }
0x130: {  	v8 =	vld [tilespmem:s24+$0x2B00]  }
0x131: {  	v12 =	vld [tilespmem:s24+$0x2B10]  }
0x132: {  	v6 =	vld [tilespmem:s24+$0x2B20]  }
0x133: {  	v5 =	vld [tilespmem:s24+$0x2B30]  }
0x134: {  	v4 =	vld [tilespmem:s24+$0x2B40]  }
0x135: {  	v3 =	vld [tilespmem:s24+$0x2B50]  }
0x136: {  	v2 =	vld [tilespmem:s24+$0x2B60]  }
0x137: {  	v1 =	vld [tilespmem:s24+$0x2B70]  }
0x138: {  	v13 =	vld [tilespmem:s24+$0x7B00]  }
0x139: {  	v14 =	vld [tilespmem:s24+$0x7B10]  }
0x13a: {  	v11 =	vld [tilespmem:s24+$0x7B20]  }
0x13b: {  	v10 =	vld [tilespmem:s24+$0x7B30]  }
0x13c: {  	v9 =	vld [tilespmem:s24+$0x7B40]  }
0x13d: {  	v7 =	vld [tilespmem:s24+$0x7B50];
	v13 =	vmul.f32 v8, v13  }
0x13e: {  	s25 =	simm.s32 $0x200;
	v12 =	vmul.f32 v12, v14;
	v8 =	vld [tilespmem:s24+$0x7B60]  }
.LBB2_13:
0x13f: {  	s3 =	sshra.s32 s25, $0x2;
	p1 =	sne.s32 s25, $0x9E00;
	[tilespmem:s24+$0x7B00] =	vst v13;
	v6 =	vmul.f32 v6, v11;
	v11 =	vld [tilespmem:s24+$0x7B70]  }
0x140: {  	v13 =	vld [tilespmem:s3+$0x2B00];
	[tilespmem:s24+$0x7B10] =	vst v12;
	v5 =	vmul.f32 v5, v10  }
0x141: {  	v12 =	vld [tilespmem:s3+$0x2B10];
	[tilespmem:s24+$0x7B20] =	vst v6;
	v4 =	vmul.f32 v4, v9  }
0x142: {  	v6 =	vld [tilespmem:s3+$0x2B20];
	[tilespmem:s24+$0x7B30] =	vst v5;
	v3 =	vmul.f32 v3, v7  }
0x143: {  	v5 =	vld [tilespmem:s3+$0x2B30];
	[tilespmem:s24+$0x7B40] =	vst v4;
	v2 =	vmul.f32 v2, v8  }
0x144: {  	v4 =	vld [tilespmem:s3+$0x2B40];
	[tilespmem:s24+$0x7B50] =	vst v3;
	v1 =	vmul.f32 v1, v11  }
0x145: {  	v3 =	vld [tilespmem:s3+$0x2B50];
	[tilespmem:s24+$0x7B60] =	vst v2  }
0x146: {  	v2 =	vld [tilespmem:s3+$0x2B60];
	[tilespmem:s24+$0x7B70] =	vst v1;
	s24 =	smov.u32 s3  }
0x147: {  	v1 =	vld [tilespmem:s24+$0x2B70]  }
0x148: {  	v7 =	vld [tilespmem:s24+$0x7B00]  }
0x149: {  	v8 =	vld [tilespmem:s24+$0x7B10]  }
.Ltmp5:
0x14a: {  	v11 =	vld [tilespmem:s24+$0x7B20];
	(pc) =	sbr.rel @p1 .LBB2_13-.Ltmp5, $4  }
0x14b: {  	v10 =	vld [tilespmem:s24+$0x7B30]  }
0x14c: {  	v9 =	vld [tilespmem:s24+$0x7B40]  }
0x14d: {  	v13 =	vmul.f32 v13, v7;
	v7 =	vld [tilespmem:s24+$0x7B50]  }
0x14e: {  	s25 =	sadd.s32 $0x200, s25;
	v12 =	vmul.f32 v12, v8;
	v8 =	vld [tilespmem:s24+$0x7B60]  }
0x14f: {  	[tilespmem:s24+$0x7B00] =	vst v13;
	v6 =	vmul.f32 v6, v11;
	v63 =	vld [tilespmem:s24+$0x7B70]  }
0x150: {  	[tilespmem:s24+$0x7B10] =	vst v12;
	v5 =	vmul.f32 v5, v10  }
0x151: {  	[tilespmem:s24+$0x7B20] =	vst v6;
	v4 =	vmul.f32 v4, v9  }
0x152: {  	[tilespmem:s24+$0x7B30] =	vst v5;
	v3 =	vmul.f32 v3, v7  }
0x153: {  	[tilespmem:s24+$0x7B40] =	vst v4;
	v2 =	vmul.f32 v2, v8  }
0x154: {  	[tilespmem:s24+$0x7B50] =	vst v3;
	v1 =	vmul.f32 v1, v63  }
0x155: {  	[tilespmem:s24+$0x7B60] =	vst v2  }
0x156: {  	[tilespmem:s24+$0x7B70] =	vst v1  }
0x157: {  	v1 =	vld [tilespmem:$0x180]  }
0x158: {  	v2 =	vld [tilespmem:$0x190]  }
0x159: {  	v3 =	vld [tilespmem:$0x1A0]  }
0x15a: {  	v4 =	vld [tilespmem:$0x1B0]  }
0x15b: {  	v5 =	vld [tilespmem:$0x1C0]  }
0x15c: {  	[tilespmem:$0x280] =	vst v1  }
0x15d: {  	[tilespmem:$0x290] =	vst v2  }
0x15e: {  	p1 =	seq.s32 s9, $0x3D;
	[tilespmem:$0x2A0] =	vst v3  }
0x15f: {  	s3 =	sadd.s32 @!p1 s23, s17;
	[tilespmem:$0x2B0] =	vst v4  }
0x160: {  	s25 =	simm.s32 @!p1 $0x0;
	s23 =	sshrl.u32 @!p1 s3, $0x3;
	[tilespmem:$0x2C0] =	vst v5  }
0x161: {  	[spmem:s2] =	stream.indirect.scatter.add.f32 [tilespmem:s15], [sflag:$0x6], $0x80, s20, s11, $0xb8;
	[tilespmem:$0x1E380] =	vst v63  }
0x162: {  	s26 =	simm.s32 @!p1 $0x80;
	s9 =	sadd.s32 @!p1 $0x1, s9;
	s24 =	sadd.s32 @!p1 s6, s23  }
0x163: {  	[tilespmem:s26], [sflag:$0x2] =	stream.linear.gather @!p1 [hbm4b:s24+s25], $0x50, $0x38;
	[tilespmem:$0x1E380] =	vst v63  }
0x164: {  	s3 =	sshll.u32 @!p1 s3, $0x4;
	s23 =	sadd.s32 @!p1 s7, s23;
	s24 =	simm.s32 @!p1 $0x180  }
0x165: {  	[tilespmem:s24], [sflag:$0x2] =	stream.linear.gather @!p1 [hbm4b:s23+s25], $0x50, $0x38;
	[tilespmem:$0x1E380] =	vst v63  }
0x166: {  	p2 =	sne.s32 @!p1 s9, $0x3E;
	s3 =	sadd.s32 @!p1 s5, s3;
	s23 =	simm.s32 @!p1 $0x2B00  }
0x167: {  	[tilespmem:s23], [sflag:$0x2] =	stream.linear.gather @!p1 [hbm4b:s3+s25], $0x2800, $0x38;
	[tilespmem:$0x1E380] =	vst v63  }
0x168: {  	p1 =	por p1, !p2  }
.Ltmp6:
0x169: {  	_ = 	snop;
	(pc) =	sbr.rel @!p1 .LBB2_10-.Ltmp6, $1  }
0x16a: {  	_ =	sdelay $0x3  }
0x16b: {  	_ =	swait.ge [sflag:s10], $0x50  }
0x16c: {  	[sflag:s10] =	ssyncset.done $0x0  }
0x16d: {  	[sflag:s10] =	ssyncadd.s32 $0xFFFFFFB0  }
0x16e: {  	_ =	swait.ge [sflag:s10], $0x50  }
0x16f: {  	[sflag:s10] =	ssyncset.done $0x0  }
0x170: {  	[sflag:s10] =	ssyncadd.s32 $0xFFFFFFB0  }
0x171: {  	_ =	swait.ge [sflag:s10], $0x2800  }
0x172: {  	[sflag:s10] =	ssyncset.done $0x0  }
0x173: {  	[sflag:s10] =	ssyncadd.s32 $0xFFFFD800  }
0x174: {  	_ =	swait.ge [sflag:s21], $0x2800  }
0x175: {  	[sflag:s21] =	ssyncset.done $0x0  }
0x176: {  	s3 =	simm.s32 $0x0;
	[sflag:s21] =	ssyncadd.s32 $0xFFFFD800  }
0x177: {  	[tilespmem:s12], [sflag:$0x3] =	stream.indirect.gather [hbm4b:s1+s11], $0x80, s3, s11, $0xb8;
	[tilespmem:$0x1E380] =	vst v63  }
0x178: {  	_ =	swait.ge [sflag:s16], $0x2800  }
0x179: {  	[sflag:s16] =	ssyncset.done $0x0  }
0x17a: {  	s9 =	simm.s32 $0x0;
	[sflag:s16] =	ssyncadd.s32 $0xFFFFD800  }
0x17b: {  	v8 =	vld [tilespmem:s9+$0x300]  }
0x17c: {  	v12 =	vld [tilespmem:s9+$0x310]  }
0x17d: {  	v6 =	vld [tilespmem:s9+$0x320]  }
0x17e: {  	v5 =	vld [tilespmem:s9+$0x330]  }
0x17f: {  	v4 =	vld [tilespmem:s9+$0x340]  }
0x180: {  	v3 =	vld [tilespmem:s9+$0x350]  }
0x181: {  	v2 =	vld [tilespmem:s9+$0x360]  }
0x182: {  	v1 =	vld [tilespmem:s9+$0x370]  }
0x183: {  	v13 =	vld [tilespmem:s9+$0x5300]  }
0x184: {  	v14 =	vld [tilespmem:s9+$0x5310]  }
0x185: {  	v11 =	vld [tilespmem:s9+$0x5320]  }
0x186: {  	v10 =	vld [tilespmem:s9+$0x5330]  }
0x187: {  	v9 =	vld [tilespmem:s9+$0x5340]  }
0x188: {  	v7 =	vld [tilespmem:s9+$0x5350];
	v13 =	vmul.f32 v8, v13  }
0x189: {  	s23 =	simm.s32 $0x200;
	v12 =	vmul.f32 v12, v14;
	v8 =	vld [tilespmem:s9+$0x5360]  }
.LBB2_16:
0x18a: {  	s3 =	sshra.s32 s23, $0x2;
	p1 =	sne.s32 s23, $0x9E00;
	[tilespmem:s9+$0x5300] =	vst v13;
	v6 =	vmul.f32 v6, v11;
	v11 =	vld [tilespmem:s9+$0x5370]  }
0x18b: {  	v13 =	vld [tilespmem:s3+$0x300];
	[tilespmem:s9+$0x5310] =	vst v12;
	v5 =	vmul.f32 v5, v10  }
0x18c: {  	v12 =	vld [tilespmem:s3+$0x310];
	[tilespmem:s9+$0x5320] =	vst v6;
	v4 =	vmul.f32 v4, v9  }
0x18d: {  	v6 =	vld [tilespmem:s3+$0x320];
	[tilespmem:s9+$0x5330] =	vst v5;
	v3 =	vmul.f32 v3, v7  }
0x18e: {  	v5 =	vld [tilespmem:s3+$0x330];
	[tilespmem:s9+$0x5340] =	vst v4;
	v2 =	vmul.f32 v2, v8  }
0x18f: {  	v4 =	vld [tilespmem:s3+$0x340];
	[tilespmem:s9+$0x5350] =	vst v3;
	v1 =	vmul.f32 v1, v11  }
0x190: {  	v3 =	vld [tilespmem:s3+$0x350];
	[tilespmem:s9+$0x5360] =	vst v2  }
0x191: {  	v2 =	vld [tilespmem:s3+$0x360];
	[tilespmem:s9+$0x5370] =	vst v1;
	s9 =	smov.u32 s3  }
0x192: {  	v1 =	vld [tilespmem:s9+$0x370]  }
0x193: {  	v7 =	vld [tilespmem:s9+$0x5300]  }
0x194: {  	v8 =	vld [tilespmem:s9+$0x5310]  }
.Ltmp7:
0x195: {  	v11 =	vld [tilespmem:s9+$0x5320];
	(pc) =	sbr.rel @p1 .LBB2_16-.Ltmp7, $4  }
0x196: {  	v10 =	vld [tilespmem:s9+$0x5330]  }
0x197: {  	v9 =	vld [tilespmem:s9+$0x5340]  }
0x198: {  	v13 =	vmul.f32 v13, v7;
	v7 =	vld [tilespmem:s9+$0x5350]  }
0x199: {  	s23 =	sadd.s32 $0x200, s23;
	v12 =	vmul.f32 v12, v8;
	v8 =	vld [tilespmem:s9+$0x5360]  }
0x19a: {  	[tilespmem:s9+$0x5300] =	vst v13;
	v6 =	vmul.f32 v6, v11;
	v63 =	vld [tilespmem:s9+$0x5370]  }
0x19b: {  	[tilespmem:s9+$0x5310] =	vst v12;
	v5 =	vmul.f32 v5, v10  }
0x19c: {  	[tilespmem:s9+$0x5320] =	vst v6;
	v4 =	vmul.f32 v4, v9  }
0x19d: {  	[tilespmem:s9+$0x5330] =	vst v5;
	v3 =	vmul.f32 v3, v7  }
0x19e: {  	[tilespmem:s9+$0x5340] =	vst v4;
	v2 =	vmul.f32 v2, v8  }
0x19f: {  	[tilespmem:s9+$0x5350] =	vst v3;
	v1 =	vmul.f32 v1, v63  }
0x1a0: {  	[tilespmem:s9+$0x5360] =	vst v2  }
0x1a1: {  	[tilespmem:s9+$0x5370] =	vst v1  }
0x1a2: {  	v1 =	vld [tilespmem:$0x100]  }
0x1a3: {  	v2 =	vld [tilespmem:$0x110]  }
0x1a4: {  	v3 =	vld [tilespmem:$0x120]  }
0x1a5: {  	v4 =	vld [tilespmem:$0x130]  }
0x1a6: {  	v5 =	vld [tilespmem:$0x140]  }
0x1a7: {  	[tilespmem:$0x200] =	vst v1  }
0x1a8: {  	[tilespmem:$0x210] =	vst v2  }
0x1a9: {  	[tilespmem:$0x220] =	vst v3  }
0x1aa: {  	[tilespmem:$0x230] =	vst v4  }
0x1ab: {  	[tilespmem:$0x240] =	vst v5  }
0x1ac: {  	[spmem:s2] =	stream.indirect.scatter.add.f32 [tilespmem:s12], [sflag:$0x5], $0x80, s18, s11, $0xb8;
	[tilespmem:$0x1E380] =	vst v63  }
0x1ad: {  	_ =	swait.ge [sflag:s21], $0x2800  }
0x1ae: {  	[sflag:s21] =	ssyncset.done $0x0  }
0x1af: {  	[sflag:s21] =	ssyncadd.s32 $0xFFFFD800  }
0x1b0: {  	_ =	swait.ge [sflag:s22], $0x2800  }
0x1b1: {  	[sflag:s22] =	ssyncset.done $0x0  }
0x1b2: {  	s3 =	stileid.u32;
	[sflag:s22] =	ssyncadd.s32 $0xFFFFD800  }
0x1b3: {  	s3 =	sshll.u32 s3, $0x6;
	[bflag:$0x0] =	sbarrier.arrive $0xFFFF  }
0x1b4: {  	s25 =	sshrl.u32 s8, $0x3;
	s3 =	sor.u32 $0x1C07, s3;
	s23 =	rddreg [dreg:$0xf]  }
0x1b5: {  	[hbm:s23], [sflag:s3] =	dma.local [spmem:s25], $0x2700  }
0x1b6: {  	_ =	swait.ge [sflag:s29], $0x2700  }
0x1b7: {  	[sflag:s29] =	ssyncset.done $0x0;
	s24 =	rddreg [dreg:$0x13]  }
0x1b8: {  	s23 =	rddreg [dreg:$0x11];
	[sflag:s29] =	ssyncadd.s32 $0xFFFFD900;
	s9 =	sshrl.u32 @!p0 s24, $0x3  }
0x1b9: {  	[hbm:s23], [sflag:s3] =	dma.local @!p0 [spmem:s9], $0x100  }
0x1ba: {  	s3 =	simm.s32 @!p0 $0x7  }
0x1bb: {  	_ =	swait.ge @!p0 [sflag:s3], $0x100  }
0x1bc: {  	s4 =	sadd.s32 $0x1, s4;
	s26 =	rddreg [dreg:$0x12]  }
0x1bd: {  	p1 =	sne.s32 s4, s26  }
.Ltmp8:
0x1be: {  	_ = 	snop;
	(pc) =	sbr.rel @p1 .LBB2_1-.Ltmp8, $3  }
0x1bf: {  	_ =	sdelay $0x1  }
0x1c0: {  	[sflag:s3] =	ssyncset.done @!p0 $0x0  }
0x1c1: {  	s25 =	simm.s32 $0x180;
	[sflag:s3] =	ssyncadd.s32 @!p0 $0xFFFFFF00;
	s26 =	simm.s32 $0x2B00  }
0x1c2: {  	_ =	sfence.sel $0x180000  }
0x1c3: {  	[bflag:$0x0] =	sbarrier.arrive $0xFFFF  }
0x1c4: {  	_ =	strace $0x90000047  }
0x1c5: {  	[bflag:$0x2] =	sbarrier.arrive $0xFFFF  }
0x1c6: {  	s0 =	rddreg [dreg:$0x3]  }
0x1c7: {  	s0 =	sadd.s32 @!p0 $0x100000, s0  }
0x1c8: {  	[sflag:s0] =	ssyncadd.tile.s32 @!p0 $0x1;
	_ =	shalt  }
.Lfunc_end2:
_tile_overlayer_lowered:
.L_overlay_start_2:
0x1c9: {  	(tag) =	ssettag $0x2  }
0x1ca: {  	s0 =	rddreg [dreg:$0x0];
	s2 =	stileid.u32  }
0x1cb: {  	s1 =	rddreg [dreg:$0x1];
	p0 =	sne.s32 s2, $0x0  }
0x1cc: {  	s3 =	rddreg [dreg:$0x2];
	[bflag:$0x3] =	sbarrier.arrive $0xFFFF;
	s2 =	simm.s32 @!p0 $0x1C07  }
0x1cd: {  	[timem:s3], [sflag:s2] =	dma.local @!p0 [hbm:s0], s1  }
0x1ce: {  	s0 =	simm.s32 @!p0 $0x7  }
0x1cf: {  	_ =	swait.ge @!p0 [sflag:s0], s1  }
0x1d0: {  	s1 =	ssub.s32 @!p0 $0x0, s1;
	[sflag:s0] =	ssyncset.done @!p0 $0x0  }
0x1d1: {  	[sflag:s0] =	ssyncadd.s32 @!p0 s1  }
0x1d2: {  	[bflag:$0x3] =	sbarrier.arrive $0xFFFF  }
0x1d3: {  	_ =	shalt  }

</sc_bundles>
